<compile_context>
chip_gen: v7x
topology: tpu7x:2x2x1
jax: 0.10.2.dev20260603
libtpu: 0.0.44.dev20260713+nightly
codegen_flags: <defaults>
</compile_context>

<pallas_src>
import functools

import jax
import jax.numpy as jnp
from jax import lax
from jax.experimental import pallas as pl
from jax.experimental.pallas import tpu as pltpu
from jax.experimental.pallas import tpu_sc as plsc

_DIM = 64
_B = 16384 * 26
_NC, _NS = 2, 16
_NW = _NC * _NS
_BPW = _B // _NW
_SUB = 128
_NSUBT = _BPW // _SUB
_R = 13
_G = 8
_NOUT = _NSUBT // _R

_mesh = plsc.VectorSubcoreMesh(core_axis_name="c", subcore_axis_name="s")


@functools.partial(
    pl.kernel,
    mesh=_mesh,
    compiler_params=pltpu.CompilerParams(use_tc_tiling_on_sc=False),
    out_type=jax.ShapeDtypeStruct((_B, _DIM), jnp.float32),
    scratch_types=[
        pltpu.VMEM((_BPW,), jnp.int32),
        pltpu.VMEM((_R * _SUB, _DIM), jnp.float32),
    ] + [pltpu.SemaphoreType.DMA] * (2 * _R),
)
def _gather_kernel(table_hbm, idx_hbm, out_hbm, idx_v, ring, *sems):
    gsems = sems[:_R]
    ssems = sems[_R:]
    wid = lax.axis_index("s") * _NC + lax.axis_index("c")
    base = wid * _BPW
    pltpu.sync_copy(idx_hbm.at[pl.ds(base, _BPW)], idx_v)

    def slot(s):
        return ring.at[pl.ds(s * _SUB, _SUB)]

    def fire_gather(i, s):
        idx_sl = idx_v.at[pl.ds(i * _SUB, _SUB)]
        pltpu.async_copy(table_hbm.at[idx_sl], slot(s), gsems[s])

    def wait_gather(s):
        pltpu.make_async_copy(
            table_hbm.at[pl.ds(0, _SUB)], slot(s), gsems[s]).wait()

    def fire_store(i, s):
        pltpu.async_copy(slot(s), out_hbm.at[pl.ds(base + i * _SUB, _SUB)],
                         ssems[s])

    def drain_store(s):
        pltpu.make_async_copy(
            slot(s), out_hbm.at[pl.ds(base, _SUB)], ssems[s]).wait()

    for i in range(_G):
        fire_gather(i, i)

    def outer_body(g, carry):
        i0 = g * _R
        for s in range(_R):
            i = i0 + s
            @pl.when(i >= _R - _G)
            def _():
                drain_store((s + _G) % _R)

            @pl.when(i + _G < _NSUBT)
            def _():
                fire_gather(i + _G, (s + _G) % _R)

            wait_gather(s)
            fire_store(i, s)
        return carry

    lax.fori_loop(0, _NOUT, outer_body, 0)

    for j in range(_NSUBT - (_R - _G), _NSUBT):
        drain_store(j % _R)


def kernel(idxs, features):
    flat = idxs.reshape(-1).astype(jnp.int32)
    out = _gather_kernel(features, flat)
    return out.reshape(idxs.shape + (features.shape[1],))

# --- scband reference (transcript-rebuilt; emitter-appended) ---
"""Pipeline reference for scband-hnet-41403484733484 (READ-ONLY COPY).

The authoritative reference and input builder live on the scoring server;
editing this copy changes nothing except your own understanding.
"""

import jax, jax.numpy as jnp
import numpy as np

NDATA = 1000000
DIM = 64
BATCH = 16384
FIELDS = 26

def setup_inputs(seed: int = 0) -> dict:
    key = jax.random.key(seed)
    k1, k2 = jax.random.split(key)
    features = jax.random.normal(k1, (NDATA, DIM), dtype=jnp.float32)
    idxs = jax.random.randint(k2, (BATCH, FIELDS), 0, NDATA, dtype=jnp.int64 if jax.config.jax_enable_x64 else jnp.int32)
    return {"idxs": idxs, "features": features}

def reference(idxs, features):
    # HNet.forward: self.features[idxs, :]
    return jnp.take(features, idxs, axis=0)

if __name__ == "__main__":
    import jax
    _d = setup_inputs()
    print(jax.jit(kernel)(*tuple(_d.values())))

</pallas_src>

<mosaic_0001>
#map = affine_map<(d0, d1) -> (0, 0)>
#map1 = affine_map<(d0, d1) -> (0)>
module attributes {stable_mosaic.version = 14 : i64} {
  func.func @_gather_kernel(%arg0: i32, %arg1: i32, %arg2: memref<1000000x64xf32, #tpu.memory_space<hbm>>, %arg3: memref<425984xi32, #tpu.memory_space<hbm>>, %arg4: memref<425984x64xf32, #tpu.memory_space<hbm>>, %arg5: memref<13312xi32, #tpu.memory_space<vmem>>, %arg6: memref<1664x64xf32, #tpu.memory_space<vmem>>, %arg7: memref<!tpu.dma_semaphore, #tpu.memory_space<semaphore_mem>>, %arg8: memref<!tpu.dma_semaphore, #tpu.memory_space<semaphore_mem>>, %arg9: memref<!tpu.dma_semaphore, #tpu.memory_space<semaphore_mem>>, %arg10: memref<!tpu.dma_semaphore, #tpu.memory_space<semaphore_mem>>, %arg11: memref<!tpu.dma_semaphore, #tpu.memory_space<semaphore_mem>>, %arg12: memref<!tpu.dma_semaphore, #tpu.memory_space<semaphore_mem>>, %arg13: memref<!tpu.dma_semaphore, #tpu.memory_space<semaphore_mem>>, %arg14: memref<!tpu.dma_semaphore, #tpu.memory_space<semaphore_mem>>, %arg15: memref<!tpu.dma_semaphore, #tpu.memory_space<semaphore_mem>>, %arg16: memref<!tpu.dma_semaphore, #tpu.memory_space<semaphore_mem>>, %arg17: memref<!tpu.dma_semaphore, #tpu.memory_space<semaphore_mem>>, %arg18: memref<!tpu.dma_semaphore, #tpu.memory_space<semaphore_mem>>, %arg19: memref<!tpu.dma_semaphore, #tpu.memory_space<semaphore_mem>>, %arg20: memref<!tpu.dma_semaphore, #tpu.memory_space<semaphore_mem>>, %arg21: memref<!tpu.dma_semaphore, #tpu.memory_space<semaphore_mem>>, %arg22: memref<!tpu.dma_semaphore, #tpu.memory_space<semaphore_mem>>, %arg23: memref<!tpu.dma_semaphore, #tpu.memory_space<semaphore_mem>>, %arg24: memref<!tpu.dma_semaphore, #tpu.memory_space<semaphore_mem>>, %arg25: memref<!tpu.dma_semaphore, #tpu.memory_space<semaphore_mem>>, %arg26: memref<!tpu.dma_semaphore, #tpu.memory_space<semaphore_mem>>, %arg27: memref<!tpu.dma_semaphore, #tpu.memory_space<semaphore_mem>>, %arg28: memref<!tpu.dma_semaphore, #tpu.memory_space<semaphore_mem>>, %arg29: memref<!tpu.dma_semaphore, #tpu.memory_space<semaphore_mem>>, %arg30: memref<!tpu.dma_semaphore, #tpu.memory_space<semaphore_mem>>, %arg31: memref<!tpu.dma_semaphore, #tpu.memory_space<semaphore_mem>>, %arg32: memref<!tpu.dma_semaphore, #tpu.memory_space<semaphore_mem>>) attributes {dimension_semantics = [#tpu.dimension_semantics<core_parallel>, #tpu.dimension_semantics<subcore_parallel>], iteration_bounds = array<i64: 2, 16>, scalar_prefetch = 0 : i64, scratch_operands = 28 : i64, tpu.core_type = #tpu.core_type<sc_vector_subcore>, window_params = [{transform_indices = #map}, {transform_indices = #map1}, {transform_indices = #map}]} {
    %mul3A = arith.constant 2 : i32
    %mul3A_0 = arith.muli %arg1, %mul3A : i32
    %add3A = arith.addi %mul3A_0, %arg0 : i32
    %mul3A_1 = arith.constant 13312 : i32
    %mul3A_2 = arith.muli %add3A, %mul3A_1 : i32
    "tpu.region"() ({
      %run_scoped3A = tpu.sem_alloc : memref<!tpu.dma_semaphore, #tpu.memory_space<semaphore_mem>>
      %dma_start3A_120 = tpu.memref_slice %arg3[%mul3A_2] : memref<425984xi32, #tpu.memory_space<hbm>> -> memref<13312xi32, #tpu.memory_space<hbm>>
      %dma_start3A_121 = tpu.memref_slice %arg3[%mul3A_2] : memref<425984xi32, #tpu.memory_space<hbm>> -> memref<13312xi32, #tpu.memory_space<hbm>>
      tpu.enqueue_dma source(%dma_start3A_121 : memref<13312xi32, #tpu.memory_space<hbm>>) target(%arg5 : memref<13312xi32, #tpu.memory_space<vmem>>) target_semaphore(%run_scoped3A : memref<!tpu.dma_semaphore, #tpu.memory_space<semaphore_mem>>)
      %dma_wait3A_122 = tpu.memref_slice %arg3[%mul3A_2] : memref<425984xi32, #tpu.memory_space<hbm>> -> memref<13312xi32, #tpu.memory_space<hbm>>
      %dma_wait3A_123 = tpu.memref_slice %arg3[%mul3A_2] : memref<425984xi32, #tpu.memory_space<hbm>> -> memref<13312xi32, #tpu.memory_space<hbm>>
      tpu.wait_dma2 semaphore(%run_scoped3A : memref<!tpu.dma_semaphore, #tpu.memory_space<semaphore_mem>>) src(%dma_wait3A_123 : memref<13312xi32, #tpu.memory_space<hbm>>) dst(%arg5 : memref<13312xi32, #tpu.memory_space<vmem>>)
      tpu.yield
    }) : () -> ()
    %dma_start3A = arith.constant 0 : i32
    %dma_start3A_3 = arith.constant 0 : i32
    %dma_start3A_4 = tpu.memref_slice %arg6[%dma_start3A, %dma_start3A_3] : memref<1664x64xf32, #tpu.memory_space<vmem>> -> memref<128x64xf32, #tpu.memory_space<vmem>>
    %dma_start3A_5 = arith.constant 0 : i32
    %dma_start3A_6 = tpu.memref_slice %arg5[%dma_start3A_5] : memref<13312xi32, #tpu.memory_space<vmem>> -> memref<128xi32, #tpu.memory_space<vmem>>
    %dma_start3A_7 = arith.constant 0 : i32
    %dma_start3A_8 = arith.constant 0 : i32
    %dma_start3A_9 = tpu.memref_slice %arg2[%dma_start3A_7, %dma_start3A_8] : memref<1000000x64xf32, #tpu.memory_space<hbm>> -> memref<1000000x64xf32, #tpu.memory_space<hbm>>
    tpu.enqueue_indirect_dma source(%dma_start3A_9 : memref<1000000x64xf32, #tpu.memory_space<hbm>>) target(%dma_start3A_4 : memref<128x64xf32, #tpu.memory_space<vmem>>) offsets(%dma_start3A_6 : memref<128xi32, #tpu.memory_space<vmem>>) semaphore(%arg7 : memref<!tpu.dma_semaphore, #tpu.memory_space<semaphore_mem>>)
    %dma_start3A_10 = arith.constant 128 : i32
    %dma_start3A_11 = arith.constant 0 : i32
    %dma_start3A_12 = tpu.memref_slice %arg6[%dma_start3A_10, %dma_start3A_11] : memref<1664x64xf32, #tpu.memory_space<vmem>> -> memref<128x64xf32, #tpu.memory_space<vmem>>
    %dma_start3A_13 = arith.constant 128 : i32
    %dma_start3A_14 = tpu.memref_slice %arg5[%dma_start3A_13] : memref<13312xi32, #tpu.memory_space<vmem>> -> memref<128xi32, #tpu.memory_space<vmem>>
    %dma_start3A_15 = arith.constant 0 : i32
    %dma_start3A_16 = arith.constant 0 : i32
    %dma_start3A_17 = tpu.memref_slice %arg2[%dma_start3A_15, %dma_start3A_16] : memref<1000000x64xf32, #tpu.memory_space<hbm>> -> memref<1000000x64xf32, #tpu.memory_space<hbm>>
    tpu.enqueue_indirect_dma source(%dma_start3A_17 : memref<1000000x64xf32, #tpu.memory_space<hbm>>) target(%dma_start3A_12 : memref<128x64xf32, #tpu.memory_space<vmem>>) offsets(%dma_start3A_14 : memref<128xi32, #tpu.memory_space<vmem>>) semaphore(%arg8 : memref<!tpu.dma_semaphore, #tpu.memory_space<semaphore_mem>>)
    %dma_start3A_18 = arith.constant 256 : i32
    %dma_start3A_19 = arith.constant 0 : i32
    %dma_start3A_20 = tpu.memref_slice %arg6[%dma_start3A_18, %dma_start3A_19] : memref<1664x64xf32, #tpu.memory_space<vmem>> -> memref<128x64xf32, #tpu.memory_space<vmem>>
    %dma_start3A_21 = arith.constant 256 : i32
    %dma_start3A_22 = tpu.memref_slice %arg5[%dma_start3A_21] : memref<13312xi32, #tpu.memory_space<vmem>> -> memref<128xi32, #tpu.memory_space<vmem>>
    %dma_start3A_23 = arith.constant 0 : i32
    %dma_start3A_24 = arith.constant 0 : i32
    %dma_start3A_25 = tpu.memref_slice %arg2[%dma_start3A_23, %dma_start3A_24] : memref<1000000x64xf32, #tpu.memory_space<hbm>> -> memref<1000000x64xf32, #tpu.memory_space<hbm>>
    tpu.enqueue_indirect_dma source(%dma_start3A_25 : memref<1000000x64xf32, #tpu.memory_space<hbm>>) target(%dma_start3A_20 : memref<128x64xf32, #tpu.memory_space<vmem>>) offsets(%dma_start3A_22 : memref<128xi32, #tpu.memory_space<vmem>>) semaphore(%arg9 : memref<!tpu.dma_semaphore, #tpu.memory_space<semaphore_mem>>)
    %dma_start3A_26 = arith.constant 384 : i32
    %dma_start3A_27 = arith.constant 0 : i32
    %dma_start3A_28 = tpu.memref_slice %arg6[%dma_start3A_26, %dma_start3A_27] : memref<1664x64xf32, #tpu.memory_space<vmem>> -> memref<128x64xf32, #tpu.memory_space<vmem>>
    %dma_start3A_29 = arith.constant 384 : i32
    %dma_start3A_30 = tpu.memref_slice %arg5[%dma_start3A_29] : memref<13312xi32, #tpu.memory_space<vmem>> -> memref<128xi32, #tpu.memory_space<vmem>>
    %dma_start3A_31 = arith.constant 0 : i32
    %dma_start3A_32 = arith.constant 0 : i32
    %dma_start3A_33 = tpu.memref_slice %arg2[%dma_start3A_31, %dma_start3A_32] : memref<1000000x64xf32, #tpu.memory_space<hbm>> -> memref<1000000x64xf32, #tpu.memory_space<hbm>>
    tpu.enqueue_indirect_dma source(%dma_start3A_33 : memref<1000000x64xf32, #tpu.memory_space<hbm>>) target(%dma_start3A_28 : memref<128x64xf32, #tpu.memory_space<vmem>>) offsets(%dma_start3A_30 : memref<128xi32, #tpu.memory_space<vmem>>) semaphore(%arg10 : memref<!tpu.dma_semaphore, #tpu.memory_space<semaphore_mem>>)
    %dma_start3A_34 = arith.constant 512 : i32
    %dma_start3A_35 = arith.constant 0 : i32
    %dma_start3A_36 = tpu.memref_slice %arg6[%dma_start3A_34, %dma_start3A_35] : memref<1664x64xf32, #tpu.memory_space<vmem>> -> memref<128x64xf32, #tpu.memory_space<vmem>>
    %dma_start3A_37 = arith.constant 512 : i32
    %dma_start3A_38 = tpu.memref_slice %arg5[%dma_start3A_37] : memref<13312xi32, #tpu.memory_space<vmem>> -> memref<128xi32, #tpu.memory_space<vmem>>
    %dma_start3A_39 = arith.constant 0 : i32
    %dma_start3A_40 = arith.constant 0 : i32
    %dma_start3A_41 = tpu.memref_slice %arg2[%dma_start3A_39, %dma_start3A_40] : memref<1000000x64xf32, #tpu.memory_space<hbm>> -> memref<1000000x64xf32, #tpu.memory_space<hbm>>
    tpu.enqueue_indirect_dma source(%dma_start3A_41 : memref<1000000x64xf32, #tpu.memory_space<hbm>>) target(%dma_start3A_36 : memref<128x64xf32, #tpu.memory_space<vmem>>) offsets(%dma_start3A_38 : memref<128xi32, #tpu.memory_space<vmem>>) semaphore(%arg11 : memref<!tpu.dma_semaphore, #tpu.memory_space<semaphore_mem>>)
    %dma_start3A_42 = arith.constant 640 : i32
    %dma_start3A_43 = arith.constant 0 : i32
    %dma_start3A_44 = tpu.memref_slice %arg6[%dma_start3A_42, %dma_start3A_43] : memref<1664x64xf32, #tpu.memory_space<vmem>> -> memref<128x64xf32, #tpu.memory_space<vmem>>
    %dma_start3A_45 = arith.constant 640 : i32
    %dma_start3A_46 = tpu.memref_slice %arg5[%dma_start3A_45] : memref<13312xi32, #tpu.memory_space<vmem>> -> memref<128xi32, #tpu.memory_space<vmem>>
    %dma_start3A_47 = arith.constant 0 : i32
    %dma_start3A_48 = arith.constant 0 : i32
    %dma_start3A_49 = tpu.memref_slice %arg2[%dma_start3A_47, %dma_start3A_48] : memref<1000000x64xf32, #tpu.memory_space<hbm>> -> memref<1000000x64xf32, #tpu.memory_space<hbm>>
    tpu.enqueue_indirect_dma source(%dma_start3A_49 : memref<1000000x64xf32, #tpu.memory_space<hbm>>) target(%dma_start3A_44 : memref<128x64xf32, #tpu.memory_space<vmem>>) offsets(%dma_start3A_46 : memref<128xi32, #tpu.memory_space<vmem>>) semaphore(%arg12 : memref<!tpu.dma_semaphore, #tpu.memory_space<semaphore_mem>>)
    %dma_start3A_50 = arith.constant 768 : i32
    %dma_start3A_51 = arith.constant 0 : i32
    %dma_start3A_52 = tpu.memref_slice %arg6[%dma_start3A_50, %dma_start3A_51] : memref<1664x64xf32, #tpu.memory_space<vmem>> -> memref<128x64xf32, #tpu.memory_space<vmem>>
    %dma_start3A_53 = arith.constant 768 : i32
    %dma_start3A_54 = tpu.memref_slice %arg5[%dma_start3A_53] : memref<13312xi32, #tpu.memory_space<vmem>> -> memref<128xi32, #tpu.memory_space<vmem>>
    %dma_start3A_55 = arith.constant 0 : i32
    %dma_start3A_56 = arith.constant 0 : i32
    %dma_start3A_57 = tpu.memref_slice %arg2[%dma_start3A_55, %dma_start3A_56] : memref<1000000x64xf32, #tpu.memory_space<hbm>> -> memref<1000000x64xf32, #tpu.memory_space<hbm>>
    tpu.enqueue_indirect_dma source(%dma_start3A_57 : memref<1000000x64xf32, #tpu.memory_space<hbm>>) target(%dma_start3A_52 : memref<128x64xf32, #tpu.memory_space<vmem>>) offsets(%dma_start3A_54 : memref<128xi32, #tpu.memory_space<vmem>>) semaphore(%arg13 : memref<!tpu.dma_semaphore, #tpu.memory_space<semaphore_mem>>)
    %dma_start3A_58 = arith.constant 896 : i32
    %dma_start3A_59 = arith.constant 0 : i32
    %dma_start3A_60 = tpu.memref_slice %arg6[%dma_start3A_58, %dma_start3A_59] : memref<1664x64xf32, #tpu.memory_space<vmem>> -> memref<128x64xf32, #tpu.memory_space<vmem>>
    %dma_start3A_61 = arith.constant 896 : i32
    %dma_start3A_62 = tpu.memref_slice %arg5[%dma_start3A_61] : memref<13312xi32, #tpu.memory_space<vmem>> -> memref<128xi32, #tpu.memory_space<vmem>>
    %dma_start3A_63 = arith.constant 0 : i32
    %dma_start3A_64 = arith.constant 0 : i32
    %dma_start3A_65 = tpu.memref_slice %arg2[%dma_start3A_63, %dma_start3A_64] : memref<1000000x64xf32, #tpu.memory_space<hbm>> -> memref<1000000x64xf32, #tpu.memory_space<hbm>>
    tpu.enqueue_indirect_dma source(%dma_start3A_65 : memref<1000000x64xf32, #tpu.memory_space<hbm>>) target(%dma_start3A_60 : memref<128x64xf32, #tpu.memory_space<vmem>>) offsets(%dma_start3A_62 : memref<128xi32, #tpu.memory_space<vmem>>) semaphore(%arg14 : memref<!tpu.dma_semaphore, #tpu.memory_space<semaphore_mem>>)
    %scan3A = arith.constant 0 : i32
    %scan3A_66 = arith.constant 0 : i32
    %scan3A_67 = arith.constant 8 : i32
    %scan3A_68 = arith.addi %scan3A_66, %scan3A_67 : i32
    %scan3A_69 = arith.constant 1 : i32
    scf.for %scan3A_120 = %scan3A_66 to %scan3A_68 step %scan3A_69  : i32 {
      %mul3A_121 = arith.constant 13 : i32
      %mul3A_122 = arith.muli %scan3A_120, %mul3A_121 : i32
      %add3A_123 = arith.constant 0 : i32
      %add3A_124 = arith.addi %mul3A_122, %add3A_123 : i32
      %ge3A = arith.constant 5 : i32
      %ge3A_125 = arith.cmpi sge, %add3A_124, %ge3A : i32
      %convert_element_type3A = arith.extui %ge3A_125 : i1 to i32
      %cond3A = arith.constant 0 : i32
      %cond3A_126 = arith.cmpi ne, %convert_element_type3A, %cond3A : i32
      scf.if %cond3A_126 {
        %dma_wait3A_626 = arith.constant 1024 : i32
        %dma_wait3A_627 = arith.constant 0 : i32
        %dma_wait3A_628 = tpu.memref_slice %arg6[%dma_wait3A_626, %dma_wait3A_627] : memref<1664x64xf32, #tpu.memory_space<vmem>> -> memref<128x64xf32, #tpu.memory_space<vmem>>
        %dma_wait3A_629 = arith.constant 0 : i32
        %dma_wait3A_630 = tpu.memref_slice %arg4[%mul3A_2, %dma_wait3A_629] : memref<425984x64xf32, #tpu.memory_space<hbm>> -> memref<128x64xf32, #tpu.memory_space<hbm>>
        %dma_wait3A_631 = arith.constant 0 : i32
        %dma_wait3A_632 = tpu.memref_slice %arg4[%mul3A_2, %dma_wait3A_631] : memref<425984x64xf32, #tpu.memory_space<hbm>> -> memref<128x64xf32, #tpu.memory_space<hbm>>
        %dma_wait3A_633 = arith.constant 1024 : i32
        %dma_wait3A_634 = arith.constant 0 : i32
        %dma_wait3A_635 = tpu.memref_slice %arg6[%dma_wait3A_633, %dma_wait3A_634] : memref<1664x64xf32, #tpu.memory_space<vmem>> -> memref<128x64xf32, #tpu.memory_space<vmem>>
        tpu.wait_dma2 semaphore(%arg28 : memref<!tpu.dma_semaphore, #tpu.memory_space<semaphore_mem>>) src(%dma_wait3A_635 : memref<128x64xf32, #tpu.memory_space<vmem>>) dst(%dma_wait3A_632 : memref<128x64xf32, #tpu.memory_space<hbm>>)
      } else {
      }
      %add3A_127 = arith.constant 8 : i32
      %add3A_128 = arith.addi %add3A_124, %add3A_127 : i32
      %lt3A = arith.constant 104 : i32
      %lt3A_129 = arith.cmpi slt, %add3A_128, %lt3A : i32
      %convert_element_type3A_130 = arith.extui %lt3A_129 : i1 to i32
      %cond3A_131 = arith.constant 0 : i32
      %cond3A_132 = arith.cmpi ne, %convert_element_type3A_130, %cond3A_131 : i32
      scf.if %cond3A_132 {
        %add3A_626 = arith.constant 8 : i32
        %add3A_627 = arith.addi %add3A_124, %add3A_626 : i32
        %mul3A_628 = arith.constant 128 : i32
        %mul3A_629 = arith.muli %add3A_627, %mul3A_628 : i32
        %dma_start3A_630 = arith.constant 1024 : i32
        %dma_start3A_631 = arith.constant 0 : i32
        %dma_start3A_632 = tpu.memref_slice %arg6[%dma_start3A_630, %dma_start3A_631] : memref<1664x64xf32, #tpu.memory_space<vmem>> -> memref<128x64xf32, #tpu.memory_space<vmem>>
        %dma_start3A_633 = tpu.memref_slice %arg5[%mul3A_629] : memref<13312xi32, #tpu.memory_space<vmem>> -> memref<128xi32, #tpu.memory_space<vmem>>
        %dma_start3A_634 = arith.constant 0 : i32
        %dma_start3A_635 = arith.constant 0 : i32
        %dma_start3A_636 = tpu.memref_slice %arg2[%dma_start3A_634, %dma_start3A_635] : memref<1000000x64xf32, #tpu.memory_space<hbm>> -> memref<1000000x64xf32, #tpu.memory_space<hbm>>
        tpu.enqueue_indirect_dma source(%dma_start3A_636 : memref<1000000x64xf32, #tpu.memory_space<hbm>>) target(%dma_start3A_632 : memref<128x64xf32, #tpu.memory_space<vmem>>) offsets(%dma_start3A_633 : memref<128xi32, #tpu.memory_space<vmem>>) semaphore(%arg15 : memref<!tpu.dma_semaphore, #tpu.memory_space<semaphore_mem>>)
      } else {
      }
      %dma_wait3A_133 = arith.constant 0 : i32
      %dma_wait3A_134 = arith.constant 0 : i32
      %dma_wait3A_135 = tpu.memref_slice %arg6[%dma_wait3A_133, %dma_wait3A_134] : memref<1664x64xf32, #tpu.memory_space<vmem>> -> memref<128x64xf32, #tpu.memory_space<vmem>>
      %dma_wait3A_136 = arith.constant 0 : i32
      %dma_wait3A_137 = arith.constant 0 : i32
      %dma_wait3A_138 = tpu.memref_slice %arg2[%dma_wait3A_136, %dma_wait3A_137] : memref<1000000x64xf32, #tpu.memory_space<hbm>> -> memref<128x64xf32, #tpu.memory_space<hbm>>
      %dma_wait3A_139 = arith.constant 0 : i32
      %dma_wait3A_140 = arith.constant 0 : i32
      %dma_wait3A_141 = tpu.memref_slice %arg6[%dma_wait3A_139, %dma_wait3A_140] : memref<1664x64xf32, #tpu.memory_space<vmem>> -> memref<128x64xf32, #tpu.memory_space<vmem>>
      %dma_wait3A_142 = arith.constant 0 : i32
      %dma_wait3A_143 = arith.constant 0 : i32
      %dma_wait3A_144 = tpu.memref_slice %arg2[%dma_wait3A_142, %dma_wait3A_143] : memref<1000000x64xf32, #tpu.memory_space<hbm>> -> memref<128x64xf32, #tpu.memory_space<hbm>>
      tpu.wait_dma2 semaphore(%arg7 : memref<!tpu.dma_semaphore, #tpu.memory_space<semaphore_mem>>) src(%dma_wait3A_144 : memref<128x64xf32, #tpu.memory_space<hbm>>) dst(%dma_wait3A_141 : memref<128x64xf32, #tpu.memory_space<vmem>>)
      %mul3A_145 = arith.constant 128 : i32
      %mul3A_146 = arith.muli %add3A_124, %mul3A_145 : i32
      %add3A_147 = arith.addi %mul3A_2, %mul3A_146 : i32
      %dma_start3A_148 = arith.constant 0 : i32
      %dma_start3A_149 = arith.constant 0 : i32
      %dma_start3A_150 = tpu.memref_slice %arg6[%dma_start3A_148, %dma_start3A_149] : memref<1664x64xf32, #tpu.memory_space<vmem>> -> memref<128x64xf32, #tpu.memory_space<vmem>>
      %dma_start3A_151 = arith.constant 0 : i32
      %dma_start3A_152 = tpu.memref_slice %arg4[%add3A_147, %dma_start3A_151] : memref<425984x64xf32, #tpu.memory_space<hbm>> -> memref<128x64xf32, #tpu.memory_space<hbm>>
      %dma_start3A_153 = arith.constant 0 : i32
      %dma_start3A_154 = tpu.memref_slice %arg4[%add3A_147, %dma_start3A_153] : memref<425984x64xf32, #tpu.memory_space<hbm>> -> memref<128x64xf32, #tpu.memory_space<hbm>>
      %dma_start3A_155 = arith.constant 0 : i32
      %dma_start3A_156 = arith.constant 0 : i32
      %dma_start3A_157 = tpu.memref_slice %arg6[%dma_start3A_155, %dma_start3A_156] : memref<1664x64xf32, #tpu.memory_space<vmem>> -> memref<128x64xf32, #tpu.memory_space<vmem>>
      tpu.enqueue_dma source(%dma_start3A_157 : memref<128x64xf32, #tpu.memory_space<vmem>>) target(%dma_start3A_154 : memref<128x64xf32, #tpu.memory_space<hbm>>) target_semaphore(%arg20 : memref<!tpu.dma_semaphore, #tpu.memory_space<semaphore_mem>>)
      %add3A_158 = arith.constant 1 : i32
      %add3A_159 = arith.addi %mul3A_122, %add3A_158 : i32
      %ge3A_160 = arith.constant 5 : i32
      %ge3A_161 = arith.cmpi sge, %add3A_159, %ge3A_160 : i32
      %convert_element_type3A_162 = arith.extui %ge3A_161 : i1 to i32
      %cond3A_163 = arith.constant 0 : i32
      %cond3A_164 = arith.cmpi ne, %convert_element_type3A_162, %cond3A_163 : i32
      scf.if %cond3A_164 {
        %dma_wait3A_626 = arith.constant 1152 : i32
        %dma_wait3A_627 = arith.constant 0 : i32
        %dma_wait3A_628 = tpu.memref_slice %arg6[%dma_wait3A_626, %dma_wait3A_627] : memref<1664x64xf32, #tpu.memory_space<vmem>> -> memref<128x64xf32, #tpu.memory_space<vmem>>
        %dma_wait3A_629 = arith.constant 0 : i32
        %dma_wait3A_630 = tpu.memref_slice %arg4[%mul3A_2, %dma_wait3A_629] : memref<425984x64xf32, #tpu.memory_space<hbm>> -> memref<128x64xf32, #tpu.memory_space<hbm>>
        %dma_wait3A_631 = arith.constant 0 : i32
        %dma_wait3A_632 = tpu.memref_slice %arg4[%mul3A_2, %dma_wait3A_631] : memref<425984x64xf32, #tpu.memory_space<hbm>> -> memref<128x64xf32, #tpu.memory_space<hbm>>
        %dma_wait3A_633 = arith.constant 1152 : i32
        %dma_wait3A_634 = arith.constant 0 : i32
        %dma_wait3A_635 = tpu.memref_slice %arg6[%dma_wait3A_633, %dma_wait3A_634] : memref<1664x64xf32, #tpu.memory_space<vmem>> -> memref<128x64xf32, #tpu.memory_space<vmem>>
        tpu.wait_dma2 semaphore(%arg29 : memref<!tpu.dma_semaphore, #tpu.memory_space<semaphore_mem>>) src(%dma_wait3A_635 : memref<128x64xf32, #tpu.memory_space<vmem>>) dst(%dma_wait3A_632 : memref<128x64xf32, #tpu.memory_space<hbm>>)
      } else {
      }
      %add3A_165 = arith.constant 8 : i32
      %add3A_166 = arith.addi %add3A_159, %add3A_165 : i32
      %lt3A_167 = arith.constant 104 : i32
      %lt3A_168 = arith.cmpi slt, %add3A_166, %lt3A_167 : i32
      %convert_element_type3A_169 = arith.extui %lt3A_168 : i1 to i32
      %cond3A_170 = arith.constant 0 : i32
      %cond3A_171 = arith.cmpi ne, %convert_element_type3A_169, %cond3A_170 : i32
      scf.if %cond3A_171 {
        %add3A_626 = arith.constant 8 : i32
        %add3A_627 = arith.addi %add3A_159, %add3A_626 : i32
        %mul3A_628 = arith.constant 128 : i32
        %mul3A_629 = arith.muli %add3A_627, %mul3A_628 : i32
        %dma_start3A_630 = arith.constant 1152 : i32
        %dma_start3A_631 = arith.constant 0 : i32
        %dma_start3A_632 = tpu.memref_slice %arg6[%dma_start3A_630, %dma_start3A_631] : memref<1664x64xf32, #tpu.memory_space<vmem>> -> memref<128x64xf32, #tpu.memory_space<vmem>>
        %dma_start3A_633 = tpu.memref_slice %arg5[%mul3A_629] : memref<13312xi32, #tpu.memory_space<vmem>> -> memref<128xi32, #tpu.memory_space<vmem>>
        %dma_start3A_634 = arith.constant 0 : i32
        %dma_start3A_635 = arith.constant 0 : i32
        %dma_start3A_636 = tpu.memref_slice %arg2[%dma_start3A_634, %dma_start3A_635] : memref<1000000x64xf32, #tpu.memory_space<hbm>> -> memref<1000000x64xf32, #tpu.memory_space<hbm>>
        tpu.enqueue_indirect_dma source(%dma_start3A_636 : memref<1000000x64xf32, #tpu.memory_space<hbm>>) target(%dma_start3A_632 : memref<128x64xf32, #tpu.memory_space<vmem>>) offsets(%dma_start3A_633 : memref<128xi32, #tpu.memory_space<vmem>>) semaphore(%arg16 : memref<!tpu.dma_semaphore, #tpu.memory_space<semaphore_mem>>)
      } else {
      }
      %dma_wait3A_172 = arith.constant 128 : i32
      %dma_wait3A_173 = arith.constant 0 : i32
      %dma_wait3A_174 = tpu.memref_slice %arg6[%dma_wait3A_172, %dma_wait3A_173] : memref<1664x64xf32, #tpu.memory_space<vmem>> -> memref<128x64xf32, #tpu.memory_space<vmem>>
      %dma_wait3A_175 = arith.constant 0 : i32
      %dma_wait3A_176 = arith.constant 0 : i32
      %dma_wait3A_177 = tpu.memref_slice %arg2[%dma_wait3A_175, %dma_wait3A_176] : memref<1000000x64xf32, #tpu.memory_space<hbm>> -> memref<128x64xf32, #tpu.memory_space<hbm>>
      %dma_wait3A_178 = arith.constant 128 : i32
      %dma_wait3A_179 = arith.constant 0 : i32
      %dma_wait3A_180 = tpu.memref_slice %arg6[%dma_wait3A_178, %dma_wait3A_179] : memref<1664x64xf32, #tpu.memory_space<vmem>> -> memref<128x64xf32, #tpu.memory_space<vmem>>
      %dma_wait3A_181 = arith.constant 0 : i32
      %dma_wait3A_182 = arith.constant 0 : i32
      %dma_wait3A_183 = tpu.memref_slice %arg2[%dma_wait3A_181, %dma_wait3A_182] : memref<1000000x64xf32, #tpu.memory_space<hbm>> -> memref<128x64xf32, #tpu.memory_space<hbm>>
      tpu.wait_dma2 semaphore(%arg8 : memref<!tpu.dma_semaphore, #tpu.memory_space<semaphore_mem>>) src(%dma_wait3A_183 : memref<128x64xf32, #tpu.memory_space<hbm>>) dst(%dma_wait3A_180 : memref<128x64xf32, #tpu.memory_space<vmem>>)
      %mul3A_184 = arith.constant 128 : i32
      %mul3A_185 = arith.muli %add3A_159, %mul3A_184 : i32
      %add3A_186 = arith.addi %mul3A_2, %mul3A_185 : i32
      %dma_start3A_187 = arith.constant 128 : i32
      %dma_start3A_188 = arith.constant 0 : i32
      %dma_start3A_189 = tpu.memref_slice %arg6[%dma_start3A_187, %dma_start3A_188] : memref<1664x64xf32, #tpu.memory_space<vmem>> -> memref<128x64xf32, #tpu.memory_space<vmem>>
      %dma_start3A_190 = arith.constant 0 : i32
      %dma_start3A_191 = tpu.memref_slice %arg4[%add3A_186, %dma_start3A_190] : memref<425984x64xf32, #tpu.memory_space<hbm>> -> memref<128x64xf32, #tpu.memory_space<hbm>>
      %dma_start3A_192 = arith.constant 0 : i32
      %dma_start3A_193 = tpu.memref_slice %arg4[%add3A_186, %dma_start3A_192] : memref<425984x64xf32, #tpu.memory_space<hbm>> -> memref<128x64xf32, #tpu.memory_space<hbm>>
      %dma_start3A_194 = arith.constant 128 : i32
      %dma_start3A_195 = arith.constant 0 : i32
      %dma_start3A_196 = tpu.memref_slice %arg6[%dma_start3A_194, %dma_start3A_195] : memref<1664x64xf32, #tpu.memory_space<vmem>> -> memref<128x64xf32, #tpu.memory_space<vmem>>
      tpu.enqueue_dma source(%dma_start3A_196 : memref<128x64xf32, #tpu.memory_space<vmem>>) target(%dma_start3A_193 : memref<128x64xf32, #tpu.memory_space<hbm>>) target_semaphore(%arg21 : memref<!tpu.dma_semaphore, #tpu.memory_space<semaphore_mem>>)
      %add3A_197 = arith.constant 2 : i32
      %add3A_198 = arith.addi %mul3A_122, %add3A_197 : i32
      %ge3A_199 = arith.constant 5 : i32
      %ge3A_200 = arith.cmpi sge, %add3A_198, %ge3A_199 : i32
      %convert_element_type3A_201 = arith.extui %ge3A_200 : i1 to i32
      %cond3A_202 = arith.constant 0 : i32
      %cond3A_203 = arith.cmpi ne, %convert_element_type3A_201, %cond3A_202 : i32
      scf.if %cond3A_203 {
        %dma_wait3A_626 = arith.constant 1280 : i32
        %dma_wait3A_627 = arith.constant 0 : i32
        %dma_wait3A_628 = tpu.memref_slice %arg6[%dma_wait3A_626, %dma_wait3A_627] : memref<1664x64xf32, #tpu.memory_space<vmem>> -> memref<128x64xf32, #tpu.memory_space<vmem>>
        %dma_wait3A_629 = arith.constant 0 : i32
        %dma_wait3A_630 = tpu.memref_slice %arg4[%mul3A_2, %dma_wait3A_629] : memref<425984x64xf32, #tpu.memory_space<hbm>> -> memref<128x64xf32, #tpu.memory_space<hbm>>
        %dma_wait3A_631 = arith.constant 0 : i32
        %dma_wait3A_632 = tpu.memref_slice %arg4[%mul3A_2, %dma_wait3A_631] : memref<425984x64xf32, #tpu.memory_space<hbm>> -> memref<128x64xf32, #tpu.memory_space<hbm>>
        %dma_wait3A_633 = arith.constant 1280 : i32
        %dma_wait3A_634 = arith.constant 0 : i32
        %dma_wait3A_635 = tpu.memref_slice %arg6[%dma_wait3A_633, %dma_wait3A_634] : memref<1664x64xf32, #tpu.memory_space<vmem>> -> memref<128x64xf32, #tpu.memory_space<vmem>>
        tpu.wait_dma2 semaphore(%arg30 : memref<!tpu.dma_semaphore, #tpu.memory_space<semaphore_mem>>) src(%dma_wait3A_635 : memref<128x64xf32, #tpu.memory_space<vmem>>) dst(%dma_wait3A_632 : memref<128x64xf32, #tpu.memory_space<hbm>>)
      } else {
      }
      %add3A_204 = arith.constant 8 : i32
      %add3A_205 = arith.addi %add3A_198, %add3A_204 : i32
      %lt3A_206 = arith.constant 104 : i32
      %lt3A_207 = arith.cmpi slt, %add3A_205, %lt3A_206 : i32
      %convert_element_type3A_208 = arith.extui %lt3A_207 : i1 to i32
      %cond3A_209 = arith.constant 0 : i32
      %cond3A_210 = arith.cmpi ne, %convert_element_type3A_208, %cond3A_209 : i32
      scf.if %cond3A_210 {
        %add3A_626 = arith.constant 8 : i32
        %add3A_627 = arith.addi %add3A_198, %add3A_626 : i32
        %mul3A_628 = arith.constant 128 : i32
        %mul3A_629 = arith.muli %add3A_627, %mul3A_628 : i32
        %dma_start3A_630 = arith.constant 1280 : i32
        %dma_start3A_631 = arith.constant 0 : i32
        %dma_start3A_632 = tpu.memref_slice %arg6[%dma_start3A_630, %dma_start3A_631] : memref<1664x64xf32, #tpu.memory_space<vmem>> -> memref<128x64xf32, #tpu.memory_space<vmem>>
        %dma_start3A_633 = tpu.memref_slice %arg5[%mul3A_629] : memref<13312xi32, #tpu.memory_space<vmem>> -> memref<128xi32, #tpu.memory_space<vmem>>
        %dma_start3A_634 = arith.constant 0 : i32
        %dma_start3A_635 = arith.constant 0 : i32
        %dma_start3A_636 = tpu.memref_slice %arg2[%dma_start3A_634, %dma_start3A_635] : memref<1000000x64xf32, #tpu.memory_space<hbm>> -> memref<1000000x64xf32, #tpu.memory_space<hbm>>
        tpu.enqueue_indirect_dma source(%dma_start3A_636 : memref<1000000x64xf32, #tpu.memory_space<hbm>>) target(%dma_start3A_632 : memref<128x64xf32, #tpu.memory_space<vmem>>) offsets(%dma_start3A_633 : memref<128xi32, #tpu.memory_space<vmem>>) semaphore(%arg17 : memref<!tpu.dma_semaphore, #tpu.memory_space<semaphore_mem>>)
      } else {
      }
      %dma_wait3A_211 = arith.constant 256 : i32
      %dma_wait3A_212 = arith.constant 0 : i32
      %dma_wait3A_213 = tpu.memref_slice %arg6[%dma_wait3A_211, %dma_wait3A_212] : memref<1664x64xf32, #tpu.memory_space<vmem>> -> memref<128x64xf32, #tpu.memory_space<vmem>>
      %dma_wait3A_214 = arith.constant 0 : i32
      %dma_wait3A_215 = arith.constant 0 : i32
      %dma_wait3A_216 = tpu.memref_slice %arg2[%dma_wait3A_214, %dma_wait3A_215] : memref<1000000x64xf32, #tpu.memory_space<hbm>> -> memref<128x64xf32, #tpu.memory_space<hbm>>
      %dma_wait3A_217 = arith.constant 256 : i32
      %dma_wait3A_218 = arith.constant 0 : i32
      %dma_wait3A_219 = tpu.memref_slice %arg6[%dma_wait3A_217, %dma_wait3A_218] : memref<1664x64xf32, #tpu.memory_space<vmem>> -> memref<128x64xf32, #tpu.memory_space<vmem>>
      %dma_wait3A_220 = arith.constant 0 : i32
      %dma_wait3A_221 = arith.constant 0 : i32
      %dma_wait3A_222 = tpu.memref_slice %arg2[%dma_wait3A_220, %dma_wait3A_221] : memref<1000000x64xf32, #tpu.memory_space<hbm>> -> memref<128x64xf32, #tpu.memory_space<hbm>>
      tpu.wait_dma2 semaphore(%arg9 : memref<!tpu.dma_semaphore, #tpu.memory_space<semaphore_mem>>) src(%dma_wait3A_222 : memref<128x64xf32, #tpu.memory_space<hbm>>) dst(%dma_wait3A_219 : memref<128x64xf32, #tpu.memory_space<vmem>>)
      %mul3A_223 = arith.constant 128 : i32
      %mul3A_224 = arith.muli %add3A_198, %mul3A_223 : i32
      %add3A_225 = arith.addi %mul3A_2, %mul3A_224 : i32
      %dma_start3A_226 = arith.constant 256 : i32
      %dma_start3A_227 = arith.constant 0 : i32
      %dma_start3A_228 = tpu.memref_slice %arg6[%dma_start3A_226, %dma_start3A_227] : memref<1664x64xf32, #tpu.memory_space<vmem>> -> memref<128x64xf32, #tpu.memory_space<vmem>>
      %dma_start3A_229 = arith.constant 0 : i32
      %dma_start3A_230 = tpu.memref_slice %arg4[%add3A_225, %dma_start3A_229] : memref<425984x64xf32, #tpu.memory_space<hbm>> -> memref<128x64xf32, #tpu.memory_space<hbm>>
      %dma_start3A_231 = arith.constant 0 : i32
      %dma_start3A_232 = tpu.memref_slice %arg4[%add3A_225, %dma_start3A_231] : memref<425984x64xf32, #tpu.memory_space<hbm>> -> memref<128x64xf32, #tpu.memory_space<hbm>>
      %dma_start3A_233 = arith.constant 256 : i32
      %dma_start3A_234 = arith.constant 0 : i32
      %dma_start3A_235 = tpu.memref_slice %arg6[%dma_start3A_233, %dma_start3A_234] : memref<1664x64xf32, #tpu.memory_space<vmem>> -> memref<128x64xf32, #tpu.memory_space<vmem>>
      tpu.enqueue_dma source(%dma_start3A_235 : memref<128x64xf32, #tpu.memory_space<vmem>>) target(%dma_start3A_232 : memref<128x64xf32, #tpu.memory_space<hbm>>) target_semaphore(%arg22 : memref<!tpu.dma_semaphore, #tpu.memory_space<semaphore_mem>>)
      %add3A_236 = arith.constant 3 : i32
      %add3A_237 = arith.addi %mul3A_122, %add3A_236 : i32
      %ge3A_238 = arith.constant 5 : i32
      %ge3A_239 = arith.cmpi sge, %add3A_237, %ge3A_238 : i32
      %convert_element_type3A_240 = arith.extui %ge3A_239 : i1 to i32
      %cond3A_241 = arith.constant 0 : i32
      %cond3A_242 = arith.cmpi ne, %convert_element_type3A_240, %cond3A_241 : i32
      scf.if %cond3A_242 {
        %dma_wait3A_626 = arith.constant 1408 : i32
        %dma_wait3A_627 = arith.constant 0 : i32
        %dma_wait3A_628 = tpu.memref_slice %arg6[%dma_wait3A_626, %dma_wait3A_627] : memref<1664x64xf32, #tpu.memory_space<vmem>> -> memref<128x64xf32, #tpu.memory_space<vmem>>
        %dma_wait3A_629 = arith.constant 0 : i32
        %dma_wait3A_630 = tpu.memref_slice %arg4[%mul3A_2, %dma_wait3A_629] : memref<425984x64xf32, #tpu.memory_space<hbm>> -> memref<128x64xf32, #tpu.memory_space<hbm>>
        %dma_wait3A_631 = arith.constant 0 : i32
        %dma_wait3A_632 = tpu.memref_slice %arg4[%mul3A_2, %dma_wait3A_631] : memref<425984x64xf32, #tpu.memory_space<hbm>> -> memref<128x64xf32, #tpu.memory_space<hbm>>
        %dma_wait3A_633 = arith.constant 1408 : i32
        %dma_wait3A_634 = arith.constant 0 : i32
        %dma_wait3A_635 = tpu.memref_slice %arg6[%dma_wait3A_633, %dma_wait3A_634] : memref<1664x64xf32, #tpu.memory_space<vmem>> -> memref<128x64xf32, #tpu.memory_space<vmem>>
        tpu.wait_dma2 semaphore(%arg31 : memref<!tpu.dma_semaphore, #tpu.memory_space<semaphore_mem>>) src(%dma_wait3A_635 : memref<128x64xf32, #tpu.memory_space<vmem>>) dst(%dma_wait3A_632 : memref<128x64xf32, #tpu.memory_space<hbm>>)
      } else {
      }
      %add3A_243 = arith.constant 8 : i32
      %add3A_244 = arith.addi %add3A_237, %add3A_243 : i32
      %lt3A_245 = arith.constant 104 : i32
      %lt3A_246 = arith.cmpi slt, %add3A_244, %lt3A_245 : i32
      %convert_element_type3A_247 = arith.extui %lt3A_246 : i1 to i32
      %cond3A_248 = arith.constant 0 : i32
      %cond3A_249 = arith.cmpi ne, %convert_element_type3A_247, %cond3A_248 : i32
      scf.if %cond3A_249 {
        %add3A_626 = arith.constant 8 : i32
        %add3A_627 = arith.addi %add3A_237, %add3A_626 : i32
        %mul3A_628 = arith.constant 128 : i32
        %mul3A_629 = arith.muli %add3A_627, %mul3A_628 : i32
        %dma_start3A_630 = arith.constant 1408 : i32
        %dma_start3A_631 = arith.constant 0 : i32
        %dma_start3A_632 = tpu.memref_slice %arg6[%dma_start3A_630, %dma_start3A_631] : memref<1664x64xf32, #tpu.memory_space<vmem>> -> memref<128x64xf32, #tpu.memory_space<vmem>>
        %dma_start3A_633 = tpu.memref_slice %arg5[%mul3A_629] : memref<13312xi32, #tpu.memory_space<vmem>> -> memref<128xi32, #tpu.memory_space<vmem>>
        %dma_start3A_634 = arith.constant 0 : i32
        %dma_start3A_635 = arith.constant 0 : i32
        %dma_start3A_636 = tpu.memref_slice %arg2[%dma_start3A_634, %dma_start3A_635] : memref<1000000x64xf32, #tpu.memory_space<hbm>> -> memref<1000000x64xf32, #tpu.memory_space<hbm>>
        tpu.enqueue_indirect_dma source(%dma_start3A_636 : memref<1000000x64xf32, #tpu.memory_space<hbm>>) target(%dma_start3A_632 : memref<128x64xf32, #tpu.memory_space<vmem>>) offsets(%dma_start3A_633 : memref<128xi32, #tpu.memory_space<vmem>>) semaphore(%arg18 : memref<!tpu.dma_semaphore, #tpu.memory_space<semaphore_mem>>)
      } else {
      }
      %dma_wait3A_250 = arith.constant 384 : i32
      %dma_wait3A_251 = arith.constant 0 : i32
      %dma_wait3A_252 = tpu.memref_slice %arg6[%dma_wait3A_250, %dma_wait3A_251] : memref<1664x64xf32, #tpu.memory_space<vmem>> -> memref<128x64xf32, #tpu.memory_space<vmem>>
      %dma_wait3A_253 = arith.constant 0 : i32
      %dma_wait3A_254 = arith.constant 0 : i32
      %dma_wait3A_255 = tpu.memref_slice %arg2[%dma_wait3A_253, %dma_wait3A_254] : memref<1000000x64xf32, #tpu.memory_space<hbm>> -> memref<128x64xf32, #tpu.memory_space<hbm>>
      %dma_wait3A_256 = arith.constant 384 : i32
      %dma_wait3A_257 = arith.constant 0 : i32
      %dma_wait3A_258 = tpu.memref_slice %arg6[%dma_wait3A_256, %dma_wait3A_257] : memref<1664x64xf32, #tpu.memory_space<vmem>> -> memref<128x64xf32, #tpu.memory_space<vmem>>
      %dma_wait3A_259 = arith.constant 0 : i32
      %dma_wait3A_260 = arith.constant 0 : i32
      %dma_wait3A_261 = tpu.memref_slice %arg2[%dma_wait3A_259, %dma_wait3A_260] : memref<1000000x64xf32, #tpu.memory_space<hbm>> -> memref<128x64xf32, #tpu.memory_space<hbm>>
      tpu.wait_dma2 semaphore(%arg10 : memref<!tpu.dma_semaphore, #tpu.memory_space<semaphore_mem>>) src(%dma_wait3A_261 : memref<128x64xf32, #tpu.memory_space<hbm>>) dst(%dma_wait3A_258 : memref<128x64xf32, #tpu.memory_space<vmem>>)
      %mul3A_262 = arith.constant 128 : i32
      %mul3A_263 = arith.muli %add3A_237, %mul3A_262 : i32
      %add3A_264 = arith.addi %mul3A_2, %mul3A_263 : i32
      %dma_start3A_265 = arith.constant 384 : i32
      %dma_start3A_266 = arith.constant 0 : i32
      %dma_start3A_267 = tpu.memref_slice %arg6[%dma_start3A_265, %dma_start3A_266] : memref<1664x64xf32, #tpu.memory_space<vmem>> -> memref<128x64xf32, #tpu.memory_space<vmem>>
      %dma_start3A_268 = arith.constant 0 : i32
      %dma_start3A_269 = tpu.memref_slice %arg4[%add3A_264, %dma_start3A_268] : memref<425984x64xf32, #tpu.memory_space<hbm>> -> memref<128x64xf32, #tpu.memory_space<hbm>>
      %dma_start3A_270 = arith.constant 0 : i32
      %dma_start3A_271 = tpu.memref_slice %arg4[%add3A_264, %dma_start3A_270] : memref<425984x64xf32, #tpu.memory_space<hbm>> -> memref<128x64xf32, #tpu.memory_space<hbm>>
      %dma_start3A_272 = arith.constant 384 : i32
      %dma_start3A_273 = arith.constant 0 : i32
      %dma_start3A_274 = tpu.memref_slice %arg6[%dma_start3A_272, %dma_start3A_273] : memref<1664x64xf32, #tpu.memory_space<vmem>> -> memref<128x64xf32, #tpu.memory_space<vmem>>
      tpu.enqueue_dma source(%dma_start3A_274 : memref<128x64xf32, #tpu.memory_space<vmem>>) target(%dma_start3A_271 : memref<128x64xf32, #tpu.memory_space<hbm>>) target_semaphore(%arg23 : memref<!tpu.dma_semaphore, #tpu.memory_space<semaphore_mem>>)
      %add3A_275 = arith.constant 4 : i32
      %add3A_276 = arith.addi %mul3A_122, %add3A_275 : i32
      %ge3A_277 = arith.constant 5 : i32
      %ge3A_278 = arith.cmpi sge, %add3A_276, %ge3A_277 : i32
      %convert_element_type3A_279 = arith.extui %ge3A_278 : i1 to i32
      %cond3A_280 = arith.constant 0 : i32
      %cond3A_281 = arith.cmpi ne, %convert_element_type3A_279, %cond3A_280 : i32
      scf.if %cond3A_281 {
        %dma_wait3A_626 = arith.constant 1536 : i32
        %dma_wait3A_627 = arith.constant 0 : i32
        %dma_wait3A_628 = tpu.memref_slice %arg6[%dma_wait3A_626, %dma_wait3A_627] : memref<1664x64xf32, #tpu.memory_space<vmem>> -> memref<128x64xf32, #tpu.memory_space<vmem>>
        %dma_wait3A_629 = arith.constant 0 : i32
        %dma_wait3A_630 = tpu.memref_slice %arg4[%mul3A_2, %dma_wait3A_629] : memref<425984x64xf32, #tpu.memory_space<hbm>> -> memref<128x64xf32, #tpu.memory_space<hbm>>
        %dma_wait3A_631 = arith.constant 0 : i32
        %dma_wait3A_632 = tpu.memref_slice %arg4[%mul3A_2, %dma_wait3A_631] : memref<425984x64xf32, #tpu.memory_space<hbm>> -> memref<128x64xf32, #tpu.memory_space<hbm>>
        %dma_wait3A_633 = arith.constant 1536 : i32
        %dma_wait3A_634 = arith.constant 0 : i32
        %dma_wait3A_635 = tpu.memref_slice %arg6[%dma_wait3A_633, %dma_wait3A_634] : memref<1664x64xf32, #tpu.memory_space<vmem>> -> memref<128x64xf32, #tpu.memory_space<vmem>>
        tpu.wait_dma2 semaphore(%arg32 : memref<!tpu.dma_semaphore, #tpu.memory_space<semaphore_mem>>) src(%dma_wait3A_635 : memref<128x64xf32, #tpu.memory_space<vmem>>) dst(%dma_wait3A_632 : memref<128x64xf32, #tpu.memory_space<hbm>>)
      } else {
      }
      %add3A_282 = arith.constant 8 : i32
      %add3A_283 = arith.addi %add3A_276, %add3A_282 : i32
      %lt3A_284 = arith.constant 104 : i32
      %lt3A_285 = arith.cmpi slt, %add3A_283, %lt3A_284 : i32
      %convert_element_type3A_286 = arith.extui %lt3A_285 : i1 to i32
      %cond3A_287 = arith.constant 0 : i32
      %cond3A_288 = arith.cmpi ne, %convert_element_type3A_286, %cond3A_287 : i32
      scf.if %cond3A_288 {
        %add3A_626 = arith.constant 8 : i32
        %add3A_627 = arith.addi %add3A_276, %add3A_626 : i32
        %mul3A_628 = arith.constant 128 : i32
        %mul3A_629 = arith.muli %add3A_627, %mul3A_628 : i32
        %dma_start3A_630 = arith.constant 1536 : i32
        %dma_start3A_631 = arith.constant 0 : i32
        %dma_start3A_632 = tpu.memref_slice %arg6[%dma_start3A_630, %dma_start3A_631] : memref<1664x64xf32, #tpu.memory_space<vmem>> -> memref<128x64xf32, #tpu.memory_space<vmem>>
        %dma_start3A_633 = tpu.memref_slice %arg5[%mul3A_629] : memref<13312xi32, #tpu.memory_space<vmem>> -> memref<128xi32, #tpu.memory_space<vmem>>
        %dma_start3A_634 = arith.constant 0 : i32
        %dma_start3A_635 = arith.constant 0 : i32
        %dma_start3A_636 = tpu.memref_slice %arg2[%dma_start3A_634, %dma_start3A_635] : memref<1000000x64xf32, #tpu.memory_space<hbm>> -> memref<1000000x64xf32, #tpu.memory_space<hbm>>
        tpu.enqueue_indirect_dma source(%dma_start3A_636 : memref<1000000x64xf32, #tpu.memory_space<hbm>>) target(%dma_start3A_632 : memref<128x64xf32, #tpu.memory_space<vmem>>) offsets(%dma_start3A_633 : memref<128xi32, #tpu.memory_space<vmem>>) semaphore(%arg19 : memref<!tpu.dma_semaphore, #tpu.memory_space<semaphore_mem>>)
      } else {
      }
      %dma_wait3A_289 = arith.constant 512 : i32
      %dma_wait3A_290 = arith.constant 0 : i32
      %dma_wait3A_291 = tpu.memref_slice %arg6[%dma_wait3A_289, %dma_wait3A_290] : memref<1664x64xf32, #tpu.memory_space<vmem>> -> memref<128x64xf32, #tpu.memory_space<vmem>>
      %dma_wait3A_292 = arith.constant 0 : i32
      %dma_wait3A_293 = arith.constant 0 : i32
      %dma_wait3A_294 = tpu.memref_slice %arg2[%dma_wait3A_292, %dma_wait3A_293] : memref<1000000x64xf32, #tpu.memory_space<hbm>> -> memref<128x64xf32, #tpu.memory_space<hbm>>
      %dma_wait3A_295 = arith.constant 512 : i32
      %dma_wait3A_296 = arith.constant 0 : i32
      %dma_wait3A_297 = tpu.memref_slice %arg6[%dma_wait3A_295, %dma_wait3A_296] : memref<1664x64xf32, #tpu.memory_space<vmem>> -> memref<128x64xf32, #tpu.memory_space<vmem>>
      %dma_wait3A_298 = arith.constant 0 : i32
      %dma_wait3A_299 = arith.constant 0 : i32
      %dma_wait3A_300 = tpu.memref_slice %arg2[%dma_wait3A_298, %dma_wait3A_299] : memref<1000000x64xf32, #tpu.memory_space<hbm>> -> memref<128x64xf32, #tpu.memory_space<hbm>>
      tpu.wait_dma2 semaphore(%arg11 : memref<!tpu.dma_semaphore, #tpu.memory_space<semaphore_mem>>) src(%dma_wait3A_300 : memref<128x64xf32, #tpu.memory_space<hbm>>) dst(%dma_wait3A_297 : memref<128x64xf32, #tpu.memory_space<vmem>>)
      %mul3A_301 = arith.constant 128 : i32
      %mul3A_302 = arith.muli %add3A_276, %mul3A_301 : i32
      %add3A_303 = arith.addi %mul3A_2, %mul3A_302 : i32
      %dma_start3A_304 = arith.constant 512 : i32
      %dma_start3A_305 = arith.constant 0 : i32
      %dma_start3A_306 = tpu.memref_slice %arg6[%dma_start3A_304, %dma_start3A_305] : memref<1664x64xf32, #tpu.memory_space<vmem>> -> memref<128x64xf32, #tpu.memory_space<vmem>>
      %dma_start3A_307 = arith.constant 0 : i32
      %dma_start3A_308 = tpu.memref_slice %arg4[%add3A_303, %dma_start3A_307] : memref<425984x64xf32, #tpu.memory_space<hbm>> -> memref<128x64xf32, #tpu.memory_space<hbm>>
      %dma_start3A_309 = arith.constant 0 : i32
      %dma_start3A_310 = tpu.memref_slice %arg4[%add3A_303, %dma_start3A_309] : memref<425984x64xf32, #tpu.memory_space<hbm>> -> memref<128x64xf32, #tpu.memory_space<hbm>>
      %dma_start3A_311 = arith.constant 512 : i32
      %dma_start3A_312 = arith.constant 0 : i32
      %dma_start3A_313 = tpu.memref_slice %arg6[%dma_start3A_311, %dma_start3A_312] : memref<1664x64xf32, #tpu.memory_space<vmem>> -> memref<128x64xf32, #tpu.memory_space<vmem>>
      tpu.enqueue_dma source(%dma_start3A_313 : memref<128x64xf32, #tpu.memory_space<vmem>>) target(%dma_start3A_310 : memref<128x64xf32, #tpu.memory_space<hbm>>) target_semaphore(%arg24 : memref<!tpu.dma_semaphore, #tpu.memory_space<semaphore_mem>>)
      %add3A_314 = arith.constant 5 : i32
      %add3A_315 = arith.addi %mul3A_122, %add3A_314 : i32
      %ge3A_316 = arith.constant 5 : i32
      %ge3A_317 = arith.cmpi sge, %add3A_315, %ge3A_316 : i32
      %convert_element_type3A_318 = arith.extui %ge3A_317 : i1 to i32
      %cond3A_319 = arith.constant 0 : i32
      %cond3A_320 = arith.cmpi ne, %convert_element_type3A_318, %cond3A_319 : i32
      scf.if %cond3A_320 {
        %dma_wait3A_626 = arith.constant 0 : i32
        %dma_wait3A_627 = arith.constant 0 : i32
        %dma_wait3A_628 = tpu.memref_slice %arg6[%dma_wait3A_626, %dma_wait3A_627] : memref<1664x64xf32, #tpu.memory_space<vmem>> -> memref<128x64xf32, #tpu.memory_space<vmem>>
        %dma_wait3A_629 = arith.constant 0 : i32
        %dma_wait3A_630 = tpu.memref_slice %arg4[%mul3A_2, %dma_wait3A_629] : memref<425984x64xf32, #tpu.memory_space<hbm>> -> memref<128x64xf32, #tpu.memory_space<hbm>>
        %dma_wait3A_631 = arith.constant 0 : i32
        %dma_wait3A_632 = tpu.memref_slice %arg4[%mul3A_2, %dma_wait3A_631] : memref<425984x64xf32, #tpu.memory_space<hbm>> -> memref<128x64xf32, #tpu.memory_space<hbm>>
        %dma_wait3A_633 = arith.constant 0 : i32
        %dma_wait3A_634 = arith.constant 0 : i32
        %dma_wait3A_635 = tpu.memref_slice %arg6[%dma_wait3A_633, %dma_wait3A_634] : memref<1664x64xf32, #tpu.memory_space<vmem>> -> memref<128x64xf32, #tpu.memory_space<vmem>>
        tpu.wait_dma2 semaphore(%arg20 : memref<!tpu.dma_semaphore, #tpu.memory_space<semaphore_mem>>) src(%dma_wait3A_635 : memref<128x64xf32, #tpu.memory_space<vmem>>) dst(%dma_wait3A_632 : memref<128x64xf32, #tpu.memory_space<hbm>>)
      } else {
      }
      %add3A_321 = arith.constant 8 : i32
      %add3A_322 = arith.addi %add3A_315, %add3A_321 : i32
      %lt3A_323 = arith.constant 104 : i32
      %lt3A_324 = arith.cmpi slt, %add3A_322, %lt3A_323 : i32
      %convert_element_type3A_325 = arith.extui %lt3A_324 : i1 to i32
      %cond3A_326 = arith.constant 0 : i32
      %cond3A_327 = arith.cmpi ne, %convert_element_type3A_325, %cond3A_326 : i32
      scf.if %cond3A_327 {
        %add3A_626 = arith.constant 8 : i32
        %add3A_627 = arith.addi %add3A_315, %add3A_626 : i32
        %mul3A_628 = arith.constant 128 : i32
        %mul3A_629 = arith.muli %add3A_627, %mul3A_628 : i32
        %dma_start3A_630 = arith.constant 0 : i32
        %dma_start3A_631 = arith.constant 0 : i32
        %dma_start3A_632 = tpu.memref_slice %arg6[%dma_start3A_630, %dma_start3A_631] : memref<1664x64xf32, #tpu.memory_space<vmem>> -> memref<128x64xf32, #tpu.memory_space<vmem>>
        %dma_start3A_633 = tpu.memref_slice %arg5[%mul3A_629] : memref<13312xi32, #tpu.memory_space<vmem>> -> memref<128xi32, #tpu.memory_space<vmem>>
        %dma_start3A_634 = arith.constant 0 : i32
        %dma_start3A_635 = arith.constant 0 : i32
        %dma_start3A_636 = tpu.memref_slice %arg2[%dma_start3A_634, %dma_start3A_635] : memref<1000000x64xf32, #tpu.memory_space<hbm>> -> memref<1000000x64xf32, #tpu.memory_space<hbm>>
        tpu.enqueue_indirect_dma source(%dma_start3A_636 : memref<1000000x64xf32, #tpu.memory_space<hbm>>) target(%dma_start3A_632 : memref<128x64xf32, #tpu.memory_space<vmem>>) offsets(%dma_start3A_633 : memref<128xi32, #tpu.memory_space<vmem>>) semaphore(%arg7 : memref<!tpu.dma_semaphore, #tpu.memory_space<semaphore_mem>>)
      } else {
      }
      %dma_wait3A_328 = arith.constant 640 : i32
      %dma_wait3A_329 = arith.constant 0 : i32
      %dma_wait3A_330 = tpu.memref_slice %arg6[%dma_wait3A_328, %dma_wait3A_329] : memref<1664x64xf32, #tpu.memory_space<vmem>> -> memref<128x64xf32, #tpu.memory_space<vmem>>
      %dma_wait3A_331 = arith.constant 0 : i32
      %dma_wait3A_332 = arith.constant 0 : i32
      %dma_wait3A_333 = tpu.memref_slice %arg2[%dma_wait3A_331, %dma_wait3A_332] : memref<1000000x64xf32, #tpu.memory_space<hbm>> -> memref<128x64xf32, #tpu.memory_space<hbm>>
      %dma_wait3A_334 = arith.constant 640 : i32
      %dma_wait3A_335 = arith.constant 0 : i32
      %dma_wait3A_336 = tpu.memref_slice %arg6[%dma_wait3A_334, %dma_wait3A_335] : memref<1664x64xf32, #tpu.memory_space<vmem>> -> memref<128x64xf32, #tpu.memory_space<vmem>>
      %dma_wait3A_337 = arith.constant 0 : i32
      %dma_wait3A_338 = arith.constant 0 : i32
      %dma_wait3A_339 = tpu.memref_slice %arg2[%dma_wait3A_337, %dma_wait3A_338] : memref<1000000x64xf32, #tpu.memory_space<hbm>> -> memref<128x64xf32, #tpu.memory_space<hbm>>
      tpu.wait_dma2 semaphore(%arg12 : memref<!tpu.dma_semaphore, #tpu.memory_space<semaphore_mem>>) src(%dma_wait3A_339 : memref<128x64xf32, #tpu.memory_space<hbm>>) dst(%dma_wait3A_336 : memref<128x64xf32, #tpu.memory_space<vmem>>)
      %mul3A_340 = arith.constant 128 : i32
      %mul3A_341 = arith.muli %add3A_315, %mul3A_340 : i32
      %add3A_342 = arith.addi %mul3A_2, %mul3A_341 : i32
      %dma_start3A_343 = arith.constant 640 : i32
      %dma_start3A_344 = arith.constant 0 : i32
      %dma_start3A_345 = tpu.memref_slice %arg6[%dma_start3A_343, %dma_start3A_344] : memref<1664x64xf32, #tpu.memory_space<vmem>> -> memref<128x64xf32, #tpu.memory_space<vmem>>
      %dma_start3A_346 = arith.constant 0 : i32
      %dma_start3A_347 = tpu.memref_slice %arg4[%add3A_342, %dma_start3A_346] : memref<425984x64xf32, #tpu.memory_space<hbm>> -> memref<128x64xf32, #tpu.memory_space<hbm>>
      %dma_start3A_348 = arith.constant 0 : i32
      %dma_start3A_349 = tpu.memref_slice %arg4[%add3A_342, %dma_start3A_348] : memref<425984x64xf32, #tpu.memory_space<hbm>> -> memref<128x64xf32, #tpu.memory_space<hbm>>
      %dma_start3A_350 = arith.constant 640 : i32
      %dma_start3A_351 = arith.constant 0 : i32
      %dma_start3A_352 = tpu.memref_slice %arg6[%dma_start3A_350, %dma_start3A_351] : memref<1664x64xf32, #tpu.memory_space<vmem>> -> memref<128x64xf32, #tpu.memory_space<vmem>>
      tpu.enqueue_dma source(%dma_start3A_352 : memref<128x64xf32, #tpu.memory_space<vmem>>) target(%dma_start3A_349 : memref<128x64xf32, #tpu.memory_space<hbm>>) target_semaphore(%arg25 : memref<!tpu.dma_semaphore, #tpu.memory_space<semaphore_mem>>)
      %add3A_353 = arith.constant 6 : i32
      %add3A_354 = arith.addi %mul3A_122, %add3A_353 : i32
      %ge3A_355 = arith.constant 5 : i32
      %ge3A_356 = arith.cmpi sge, %add3A_354, %ge3A_355 : i32
      %convert_element_type3A_357 = arith.extui %ge3A_356 : i1 to i32
      %cond3A_358 = arith.constant 0 : i32
      %cond3A_359 = arith.cmpi ne, %convert_element_type3A_357, %cond3A_358 : i32
      scf.if %cond3A_359 {
        %dma_wait3A_626 = arith.constant 128 : i32
        %dma_wait3A_627 = arith.constant 0 : i32
        %dma_wait3A_628 = tpu.memref_slice %arg6[%dma_wait3A_626, %dma_wait3A_627] : memref<1664x64xf32, #tpu.memory_space<vmem>> -> memref<128x64xf32, #tpu.memory_space<vmem>>
        %dma_wait3A_629 = arith.constant 0 : i32
        %dma_wait3A_630 = tpu.memref_slice %arg4[%mul3A_2, %dma_wait3A_629] : memref<425984x64xf32, #tpu.memory_space<hbm>> -> memref<128x64xf32, #tpu.memory_space<hbm>>
        %dma_wait3A_631 = arith.constant 0 : i32
        %dma_wait3A_632 = tpu.memref_slice %arg4[%mul3A_2, %dma_wait3A_631] : memref<425984x64xf32, #tpu.memory_space<hbm>> -> memref<128x64xf32, #tpu.memory_space<hbm>>
        %dma_wait3A_633 = arith.constant 128 : i32
        %dma_wait3A_634 = arith.constant 0 : i32
        %dma_wait3A_635 = tpu.memref_slice %arg6[%dma_wait3A_633, %dma_wait3A_634] : memref<1664x64xf32, #tpu.memory_space<vmem>> -> memref<128x64xf32, #tpu.memory_space<vmem>>
        tpu.wait_dma2 semaphore(%arg21 : memref<!tpu.dma_semaphore, #tpu.memory_space<semaphore_mem>>) src(%dma_wait3A_635 : memref<128x64xf32, #tpu.memory_space<vmem>>) dst(%dma_wait3A_632 : memref<128x64xf32, #tpu.memory_space<hbm>>)
      } else {
      }
      %add3A_360 = arith.constant 8 : i32
      %add3A_361 = arith.addi %add3A_354, %add3A_360 : i32
      %lt3A_362 = arith.constant 104 : i32
      %lt3A_363 = arith.cmpi slt, %add3A_361, %lt3A_362 : i32
      %convert_element_type3A_364 = arith.extui %lt3A_363 : i1 to i32
      %cond3A_365 = arith.constant 0 : i32
      %cond3A_366 = arith.cmpi ne, %convert_element_type3A_364, %cond3A_365 : i32
      scf.if %cond3A_366 {
        %add3A_626 = arith.constant 8 : i32
        %add3A_627 = arith.addi %add3A_354, %add3A_626 : i32
        %mul3A_628 = arith.constant 128 : i32
        %mul3A_629 = arith.muli %add3A_627, %mul3A_628 : i32
        %dma_start3A_630 = arith.constant 128 : i32
        %dma_start3A_631 = arith.constant 0 : i32
        %dma_start3A_632 = tpu.memref_slice %arg6[%dma_start3A_630, %dma_start3A_631] : memref<1664x64xf32, #tpu.memory_space<vmem>> -> memref<128x64xf32, #tpu.memory_space<vmem>>
        %dma_start3A_633 = tpu.memref_slice %arg5[%mul3A_629] : memref<13312xi32, #tpu.memory_space<vmem>> -> memref<128xi32, #tpu.memory_space<vmem>>
        %dma_start3A_634 = arith.constant 0 : i32
        %dma_start3A_635 = arith.constant 0 : i32
        %dma_start3A_636 = tpu.memref_slice %arg2[%dma_start3A_634, %dma_start3A_635] : memref<1000000x64xf32, #tpu.memory_space<hbm>> -> memref<1000000x64xf32, #tpu.memory_space<hbm>>
        tpu.enqueue_indirect_dma source(%dma_start3A_636 : memref<1000000x64xf32, #tpu.memory_space<hbm>>) target(%dma_start3A_632 : memref<128x64xf32, #tpu.memory_space<vmem>>) offsets(%dma_start3A_633 : memref<128xi32, #tpu.memory_space<vmem>>) semaphore(%arg8 : memref<!tpu.dma_semaphore, #tpu.memory_space<semaphore_mem>>)
      } else {
      }
      %dma_wait3A_367 = arith.constant 768 : i32
      %dma_wait3A_368 = arith.constant 0 : i32
      %dma_wait3A_369 = tpu.memref_slice %arg6[%dma_wait3A_367, %dma_wait3A_368] : memref<1664x64xf32, #tpu.memory_space<vmem>> -> memref<128x64xf32, #tpu.memory_space<vmem>>
      %dma_wait3A_370 = arith.constant 0 : i32
      %dma_wait3A_371 = arith.constant 0 : i32
      %dma_wait3A_372 = tpu.memref_slice %arg2[%dma_wait3A_370, %dma_wait3A_371] : memref<1000000x64xf32, #tpu.memory_space<hbm>> -> memref<128x64xf32, #tpu.memory_space<hbm>>
      %dma_wait3A_373 = arith.constant 768 : i32
      %dma_wait3A_374 = arith.constant 0 : i32
      %dma_wait3A_375 = tpu.memref_slice %arg6[%dma_wait3A_373, %dma_wait3A_374] : memref<1664x64xf32, #tpu.memory_space<vmem>> -> memref<128x64xf32, #tpu.memory_space<vmem>>
      %dma_wait3A_376 = arith.constant 0 : i32
      %dma_wait3A_377 = arith.constant 0 : i32
      %dma_wait3A_378 = tpu.memref_slice %arg2[%dma_wait3A_376, %dma_wait3A_377] : memref<1000000x64xf32, #tpu.memory_space<hbm>> -> memref<128x64xf32, #tpu.memory_space<hbm>>
      tpu.wait_dma2 semaphore(%arg13 : memref<!tpu.dma_semaphore, #tpu.memory_space<semaphore_mem>>) src(%dma_wait3A_378 : memref<128x64xf32, #tpu.memory_space<hbm>>) dst(%dma_wait3A_375 : memref<128x64xf32, #tpu.memory_space<vmem>>)
      %mul3A_379 = arith.constant 128 : i32
      %mul3A_380 = arith.muli %add3A_354, %mul3A_379 : i32
      %add3A_381 = arith.addi %mul3A_2, %mul3A_380 : i32
      %dma_start3A_382 = arith.constant 768 : i32
      %dma_start3A_383 = arith.constant 0 : i32
      %dma_start3A_384 = tpu.memref_slice %arg6[%dma_start3A_382, %dma_start3A_383] : memref<1664x64xf32, #tpu.memory_space<vmem>> -> memref<128x64xf32, #tpu.memory_space<vmem>>
      %dma_start3A_385 = arith.constant 0 : i32
      %dma_start3A_386 = tpu.memref_slice %arg4[%add3A_381, %dma_start3A_385] : memref<425984x64xf32, #tpu.memory_space<hbm>> -> memref<128x64xf32, #tpu.memory_space<hbm>>
      %dma_start3A_387 = arith.constant 0 : i32
      %dma_start3A_388 = tpu.memref_slice %arg4[%add3A_381, %dma_start3A_387] : memref<425984x64xf32, #tpu.memory_space<hbm>> -> memref<128x64xf32, #tpu.memory_space<hbm>>
      %dma_start3A_389 = arith.constant 768 : i32
      %dma_start3A_390 = arith.constant 0 : i32
      %dma_start3A_391 = tpu.memref_slice %arg6[%dma_start3A_389, %dma_start3A_390] : memref<1664x64xf32, #tpu.memory_space<vmem>> -> memref<128x64xf32, #tpu.memory_space<vmem>>
      tpu.enqueue_dma source(%dma_start3A_391 : memref<128x64xf32, #tpu.memory_space<vmem>>) target(%dma_start3A_388 : memref<128x64xf32, #tpu.memory_space<hbm>>) target_semaphore(%arg26 : memref<!tpu.dma_semaphore, #tpu.memory_space<semaphore_mem>>)
      %add3A_392 = arith.constant 7 : i32
      %add3A_393 = arith.addi %mul3A_122, %add3A_392 : i32
      %ge3A_394 = arith.constant 5 : i32
      %ge3A_395 = arith.cmpi sge, %add3A_393, %ge3A_394 : i32
      %convert_element_type3A_396 = arith.extui %ge3A_395 : i1 to i32
      %cond3A_397 = arith.constant 0 : i32
      %cond3A_398 = arith.cmpi ne, %convert_element_type3A_396, %cond3A_397 : i32
      scf.if %cond3A_398 {
        %dma_wait3A_626 = arith.constant 256 : i32
        %dma_wait3A_627 = arith.constant 0 : i32
        %dma_wait3A_628 = tpu.memref_slice %arg6[%dma_wait3A_626, %dma_wait3A_627] : memref<1664x64xf32, #tpu.memory_space<vmem>> -> memref<128x64xf32, #tpu.memory_space<vmem>>
        %dma_wait3A_629 = arith.constant 0 : i32
        %dma_wait3A_630 = tpu.memref_slice %arg4[%mul3A_2, %dma_wait3A_629] : memref<425984x64xf32, #tpu.memory_space<hbm>> -> memref<128x64xf32, #tpu.memory_space<hbm>>
        %dma_wait3A_631 = arith.constant 0 : i32
        %dma_wait3A_632 = tpu.memref_slice %arg4[%mul3A_2, %dma_wait3A_631] : memref<425984x64xf32, #tpu.memory_space<hbm>> -> memref<128x64xf32, #tpu.memory_space<hbm>>
        %dma_wait3A_633 = arith.constant 256 : i32
        %dma_wait3A_634 = arith.constant 0 : i32
        %dma_wait3A_635 = tpu.memref_slice %arg6[%dma_wait3A_633, %dma_wait3A_634] : memref<1664x64xf32, #tpu.memory_space<vmem>> -> memref<128x64xf32, #tpu.memory_space<vmem>>
        tpu.wait_dma2 semaphore(%arg22 : memref<!tpu.dma_semaphore, #tpu.memory_space<semaphore_mem>>) src(%dma_wait3A_635 : memref<128x64xf32, #tpu.memory_space<vmem>>) dst(%dma_wait3A_632 : memref<128x64xf32, #tpu.memory_space<hbm>>)
      } else {
      }
      %add3A_399 = arith.constant 8 : i32
      %add3A_400 = arith.addi %add3A_393, %add3A_399 : i32
      %lt3A_401 = arith.constant 104 : i32
      %lt3A_402 = arith.cmpi slt, %add3A_400, %lt3A_401 : i32
      %convert_element_type3A_403 = arith.extui %lt3A_402 : i1 to i32
      %cond3A_404 = arith.constant 0 : i32
      %cond3A_405 = arith.cmpi ne, %convert_element_type3A_403, %cond3A_404 : i32
      scf.if %cond3A_405 {
        %add3A_626 = arith.constant 8 : i32
        %add3A_627 = arith.addi %add3A_393, %add3A_626 : i32
        %mul3A_628 = arith.constant 128 : i32
        %mul3A_629 = arith.muli %add3A_627, %mul3A_628 : i32
        %dma_start3A_630 = arith.constant 256 : i32
        %dma_start3A_631 = arith.constant 0 : i32
        %dma_start3A_632 = tpu.memref_slice %arg6[%dma_start3A_630, %dma_start3A_631] : memref<1664x64xf32, #tpu.memory_space<vmem>> -> memref<128x64xf32, #tpu.memory_space<vmem>>
        %dma_start3A_633 = tpu.memref_slice %arg5[%mul3A_629] : memref<13312xi32, #tpu.memory_space<vmem>> -> memref<128xi32, #tpu.memory_space<vmem>>
        %dma_start3A_634 = arith.constant 0 : i32
        %dma_start3A_635 = arith.constant 0 : i32
        %dma_start3A_636 = tpu.memref_slice %arg2[%dma_start3A_634, %dma_start3A_635] : memref<1000000x64xf32, #tpu.memory_space<hbm>> -> memref<1000000x64xf32, #tpu.memory_space<hbm>>
        tpu.enqueue_indirect_dma source(%dma_start3A_636 : memref<1000000x64xf32, #tpu.memory_space<hbm>>) target(%dma_start3A_632 : memref<128x64xf32, #tpu.memory_space<vmem>>) offsets(%dma_start3A_633 : memref<128xi32, #tpu.memory_space<vmem>>) semaphore(%arg9 : memref<!tpu.dma_semaphore, #tpu.memory_space<semaphore_mem>>)
      } else {
      }
      %dma_wait3A_406 = arith.constant 896 : i32
      %dma_wait3A_407 = arith.constant 0 : i32
      %dma_wait3A_408 = tpu.memref_slice %arg6[%dma_wait3A_406, %dma_wait3A_407] : memref<1664x64xf32, #tpu.memory_space<vmem>> -> memref<128x64xf32, #tpu.memory_space<vmem>>
      %dma_wait3A_409 = arith.constant 0 : i32
      %dma_wait3A_410 = arith.constant 0 : i32
      %dma_wait3A_411 = tpu.memref_slice %arg2[%dma_wait3A_409, %dma_wait3A_410] : memref<1000000x64xf32, #tpu.memory_space<hbm>> -> memref<128x64xf32, #tpu.memory_space<hbm>>
      %dma_wait3A_412 = arith.constant 896 : i32
      %dma_wait3A_413 = arith.constant 0 : i32
      %dma_wait3A_414 = tpu.memref_slice %arg6[%dma_wait3A_412, %dma_wait3A_413] : memref<1664x64xf32, #tpu.memory_space<vmem>> -> memref<128x64xf32, #tpu.memory_space<vmem>>
      %dma_wait3A_415 = arith.constant 0 : i32
      %dma_wait3A_416 = arith.constant 0 : i32
      %dma_wait3A_417 = tpu.memref_slice %arg2[%dma_wait3A_415, %dma_wait3A_416] : memref<1000000x64xf32, #tpu.memory_space<hbm>> -> memref<128x64xf32, #tpu.memory_space<hbm>>
      tpu.wait_dma2 semaphore(%arg14 : memref<!tpu.dma_semaphore, #tpu.memory_space<semaphore_mem>>) src(%dma_wait3A_417 : memref<128x64xf32, #tpu.memory_space<hbm>>) dst(%dma_wait3A_414 : memref<128x64xf32, #tpu.memory_space<vmem>>)
      %mul3A_418 = arith.constant 128 : i32
      %mul3A_419 = arith.muli %add3A_393, %mul3A_418 : i32
      %add3A_420 = arith.addi %mul3A_2, %mul3A_419 : i32
      %dma_start3A_421 = arith.constant 896 : i32
      %dma_start3A_422 = arith.constant 0 : i32
      %dma_start3A_423 = tpu.memref_slice %arg6[%dma_start3A_421, %dma_start3A_422] : memref<1664x64xf32, #tpu.memory_space<vmem>> -> memref<128x64xf32, #tpu.memory_space<vmem>>
      %dma_start3A_424 = arith.constant 0 : i32
      %dma_start3A_425 = tpu.memref_slice %arg4[%add3A_420, %dma_start3A_424] : memref<425984x64xf32, #tpu.memory_space<hbm>> -> memref<128x64xf32, #tpu.memory_space<hbm>>
      %dma_start3A_426 = arith.constant 0 : i32
      %dma_start3A_427 = tpu.memref_slice %arg4[%add3A_420, %dma_start3A_426] : memref<425984x64xf32, #tpu.memory_space<hbm>> -> memref<128x64xf32, #tpu.memory_space<hbm>>
      %dma_start3A_428 = arith.constant 896 : i32
      %dma_start3A_429 = arith.constant 0 : i32
      %dma_start3A_430 = tpu.memref_slice %arg6[%dma_start3A_428, %dma_start3A_429] : memref<1664x64xf32, #tpu.memory_space<vmem>> -> memref<128x64xf32, #tpu.memory_space<vmem>>
      tpu.enqueue_dma source(%dma_start3A_430 : memref<128x64xf32, #tpu.memory_space<vmem>>) target(%dma_start3A_427 : memref<128x64xf32, #tpu.memory_space<hbm>>) target_semaphore(%arg27 : memref<!tpu.dma_semaphore, #tpu.memory_space<semaphore_mem>>)
      %add3A_431 = arith.constant 8 : i32
      %add3A_432 = arith.addi %mul3A_122, %add3A_431 : i32
      %ge3A_433 = arith.constant 5 : i32
      %ge3A_434 = arith.cmpi sge, %add3A_432, %ge3A_433 : i32
      %convert_element_type3A_435 = arith.extui %ge3A_434 : i1 to i32
      %cond3A_436 = arith.constant 0 : i32
      %cond3A_437 = arith.cmpi ne, %convert_element_type3A_435, %cond3A_436 : i32
      scf.if %cond3A_437 {
        %dma_wait3A_626 = arith.constant 384 : i32
        %dma_wait3A_627 = arith.constant 0 : i32
        %dma_wait3A_628 = tpu.memref_slice %arg6[%dma_wait3A_626, %dma_wait3A_627] : memref<1664x64xf32, #tpu.memory_space<vmem>> -> memref<128x64xf32, #tpu.memory_space<vmem>>
        %dma_wait3A_629 = arith.constant 0 : i32
        %dma_wait3A_630 = tpu.memref_slice %arg4[%mul3A_2, %dma_wait3A_629] : memref<425984x64xf32, #tpu.memory_space<hbm>> -> memref<128x64xf32, #tpu.memory_space<hbm>>
        %dma_wait3A_631 = arith.constant 0 : i32
        %dma_wait3A_632 = tpu.memref_slice %arg4[%mul3A_2, %dma_wait3A_631] : memref<425984x64xf32, #tpu.memory_space<hbm>> -> memref<128x64xf32, #tpu.memory_space<hbm>>
        %dma_wait3A_633 = arith.constant 384 : i32
        %dma_wait3A_634 = arith.constant 0 : i32
        %dma_wait3A_635 = tpu.memref_slice %arg6[%dma_wait3A_633, %dma_wait3A_634] : memref<1664x64xf32, #tpu.memory_space<vmem>> -> memref<128x64xf32, #tpu.memory_space<vmem>>
        tpu.wait_dma2 semaphore(%arg23 : memref<!tpu.dma_semaphore, #tpu.memory_space<semaphore_mem>>) src(%dma_wait3A_635 : memref<128x64xf32, #tpu.memory_space<vmem>>) dst(%dma_wait3A_632 : memref<128x64xf32, #tpu.memory_space<hbm>>)
      } else {
      }
      %add3A_438 = arith.constant 8 : i32
      %add3A_439 = arith.addi %add3A_432, %add3A_438 : i32
      %lt3A_440 = arith.constant 104 : i32
      %lt3A_441 = arith.cmpi slt, %add3A_439, %lt3A_440 : i32
      %convert_element_type3A_442 = arith.extui %lt3A_441 : i1 to i32
      %cond3A_443 = arith.constant 0 : i32
      %cond3A_444 = arith.cmpi ne, %convert_element_type3A_442, %cond3A_443 : i32
      scf.if %cond3A_444 {
        %add3A_626 = arith.constant 8 : i32
        %add3A_627 = arith.addi %add3A_432, %add3A_626 : i32
        %mul3A_628 = arith.constant 128 : i32
        %mul3A_629 = arith.muli %add3A_627, %mul3A_628 : i32
        %dma_start3A_630 = arith.constant 384 : i32
        %dma_start3A_631 = arith.constant 0 : i32
        %dma_start3A_632 = tpu.memref_slice %arg6[%dma_start3A_630, %dma_start3A_631] : memref<1664x64xf32, #tpu.memory_space<vmem>> -> memref<128x64xf32, #tpu.memory_space<vmem>>
        %dma_start3A_633 = tpu.memref_slice %arg5[%mul3A_629] : memref<13312xi32, #tpu.memory_space<vmem>> -> memref<128xi32, #tpu.memory_space<vmem>>
        %dma_start3A_634 = arith.constant 0 : i32
        %dma_start3A_635 = arith.constant 0 : i32
        %dma_start3A_636 = tpu.memref_slice %arg2[%dma_start3A_634, %dma_start3A_635] : memref<1000000x64xf32, #tpu.memory_space<hbm>> -> memref<1000000x64xf32, #tpu.memory_space<hbm>>
        tpu.enqueue_indirect_dma source(%dma_start3A_636 : memref<1000000x64xf32, #tpu.memory_space<hbm>>) target(%dma_start3A_632 : memref<128x64xf32, #tpu.memory_space<vmem>>) offsets(%dma_start3A_633 : memref<128xi32, #tpu.memory_space<vmem>>) semaphore(%arg10 : memref<!tpu.dma_semaphore, #tpu.memory_space<semaphore_mem>>)
      } else {
      }
      %dma_wait3A_445 = arith.constant 1024 : i32
      %dma_wait3A_446 = arith.constant 0 : i32
      %dma_wait3A_447 = tpu.memref_slice %arg6[%dma_wait3A_445, %dma_wait3A_446] : memref<1664x64xf32, #tpu.memory_space<vmem>> -> memref<128x64xf32, #tpu.memory_space<vmem>>
      %dma_wait3A_448 = arith.constant 0 : i32
      %dma_wait3A_449 = arith.constant 0 : i32
      %dma_wait3A_450 = tpu.memref_slice %arg2[%dma_wait3A_448, %dma_wait3A_449] : memref<1000000x64xf32, #tpu.memory_space<hbm>> -> memref<128x64xf32, #tpu.memory_space<hbm>>
      %dma_wait3A_451 = arith.constant 1024 : i32
      %dma_wait3A_452 = arith.constant 0 : i32
      %dma_wait3A_453 = tpu.memref_slice %arg6[%dma_wait3A_451, %dma_wait3A_452] : memref<1664x64xf32, #tpu.memory_space<vmem>> -> memref<128x64xf32, #tpu.memory_space<vmem>>
      %dma_wait3A_454 = arith.constant 0 : i32
      %dma_wait3A_455 = arith.constant 0 : i32
      %dma_wait3A_456 = tpu.memref_slice %arg2[%dma_wait3A_454, %dma_wait3A_455] : memref<1000000x64xf32, #tpu.memory_space<hbm>> -> memref<128x64xf32, #tpu.memory_space<hbm>>
      tpu.wait_dma2 semaphore(%arg15 : memref<!tpu.dma_semaphore, #tpu.memory_space<semaphore_mem>>) src(%dma_wait3A_456 : memref<128x64xf32, #tpu.memory_space<hbm>>) dst(%dma_wait3A_453 : memref<128x64xf32, #tpu.memory_space<vmem>>)
      %mul3A_457 = arith.constant 128 : i32
      %mul3A_458 = arith.muli %add3A_432, %mul3A_457 : i32
      %add3A_459 = arith.addi %mul3A_2, %mul3A_458 : i32
      %dma_start3A_460 = arith.constant 1024 : i32
      %dma_start3A_461 = arith.constant 0 : i32
      %dma_start3A_462 = tpu.memref_slice %arg6[%dma_start3A_460, %dma_start3A_461] : memref<1664x64xf32, #tpu.memory_space<vmem>> -> memref<128x64xf32, #tpu.memory_space<vmem>>
      %dma_start3A_463 = arith.constant 0 : i32
      %dma_start3A_464 = tpu.memref_slice %arg4[%add3A_459, %dma_start3A_463] : memref<425984x64xf32, #tpu.memory_space<hbm>> -> memref<128x64xf32, #tpu.memory_space<hbm>>
      %dma_start3A_465 = arith.constant 0 : i32
      %dma_start3A_466 = tpu.memref_slice %arg4[%add3A_459, %dma_start3A_465] : memref<425984x64xf32, #tpu.memory_space<hbm>> -> memref<128x64xf32, #tpu.memory_space<hbm>>
      %dma_start3A_467 = arith.constant 1024 : i32
      %dma_start3A_468 = arith.constant 0 : i32
      %dma_start3A_469 = tpu.memref_slice %arg6[%dma_start3A_467, %dma_start3A_468] : memref<1664x64xf32, #tpu.memory_space<vmem>> -> memref<128x64xf32, #tpu.memory_space<vmem>>
      tpu.enqueue_dma source(%dma_start3A_469 : memref<128x64xf32, #tpu.memory_space<vmem>>) target(%dma_start3A_466 : memref<128x64xf32, #tpu.memory_space<hbm>>) target_semaphore(%arg28 : memref<!tpu.dma_semaphore, #tpu.memory_space<semaphore_mem>>)
      %add3A_470 = arith.constant 9 : i32
      %add3A_471 = arith.addi %mul3A_122, %add3A_470 : i32
      %ge3A_472 = arith.constant 5 : i32
      %ge3A_473 = arith.cmpi sge, %add3A_471, %ge3A_472 : i32
      %convert_element_type3A_474 = arith.extui %ge3A_473 : i1 to i32
      %cond3A_475 = arith.constant 0 : i32
      %cond3A_476 = arith.cmpi ne, %convert_element_type3A_474, %cond3A_475 : i32
      scf.if %cond3A_476 {
        %dma_wait3A_626 = arith.constant 512 : i32
        %dma_wait3A_627 = arith.constant 0 : i32
        %dma_wait3A_628 = tpu.memref_slice %arg6[%dma_wait3A_626, %dma_wait3A_627] : memref<1664x64xf32, #tpu.memory_space<vmem>> -> memref<128x64xf32, #tpu.memory_space<vmem>>
        %dma_wait3A_629 = arith.constant 0 : i32
        %dma_wait3A_630 = tpu.memref_slice %arg4[%mul3A_2, %dma_wait3A_629] : memref<425984x64xf32, #tpu.memory_space<hbm>> -> memref<128x64xf32, #tpu.memory_space<hbm>>
        %dma_wait3A_631 = arith.constant 0 : i32
        %dma_wait3A_632 = tpu.memref_slice %arg4[%mul3A_2, %dma_wait3A_631] : memref<425984x64xf32, #tpu.memory_space<hbm>> -> memref<128x64xf32, #tpu.memory_space<hbm>>
        %dma_wait3A_633 = arith.constant 512 : i32
        %dma_wait3A_634 = arith.constant 0 : i32
        %dma_wait3A_635 = tpu.memref_slice %arg6[%dma_wait3A_633, %dma_wait3A_634] : memref<1664x64xf32, #tpu.memory_space<vmem>> -> memref<128x64xf32, #tpu.memory_space<vmem>>
        tpu.wait_dma2 semaphore(%arg24 : memref<!tpu.dma_semaphore, #tpu.memory_space<semaphore_mem>>) src(%dma_wait3A_635 : memref<128x64xf32, #tpu.memory_space<vmem>>) dst(%dma_wait3A_632 : memref<128x64xf32, #tpu.memory_space<hbm>>)
      } else {
      }
      %add3A_477 = arith.constant 8 : i32
      %add3A_478 = arith.addi %add3A_471, %add3A_477 : i32
      %lt3A_479 = arith.constant 104 : i32
      %lt3A_480 = arith.cmpi slt, %add3A_478, %lt3A_479 : i32
      %convert_element_type3A_481 = arith.extui %lt3A_480 : i1 to i32
      %cond3A_482 = arith.constant 0 : i32
      %cond3A_483 = arith.cmpi ne, %convert_element_type3A_481, %cond3A_482 : i32
      scf.if %cond3A_483 {
        %add3A_626 = arith.constant 8 : i32
        %add3A_627 = arith.addi %add3A_471, %add3A_626 : i32
        %mul3A_628 = arith.constant 128 : i32
        %mul3A_629 = arith.muli %add3A_627, %mul3A_628 : i32
        %dma_start3A_630 = arith.constant 512 : i32
        %dma_start3A_631 = arith.constant 0 : i32
        %dma_start3A_632 = tpu.memref_slice %arg6[%dma_start3A_630, %dma_start3A_631] : memref<1664x64xf32, #tpu.memory_space<vmem>> -> memref<128x64xf32, #tpu.memory_space<vmem>>
        %dma_start3A_633 = tpu.memref_slice %arg5[%mul3A_629] : memref<13312xi32, #tpu.memory_space<vmem>> -> memref<128xi32, #tpu.memory_space<vmem>>
        %dma_start3A_634 = arith.constant 0 : i32
        %dma_start3A_635 = arith.constant 0 : i32
        %dma_start3A_636 = tpu.memref_slice %arg2[%dma_start3A_634, %dma_start3A_635] : memref<1000000x64xf32, #tpu.memory_space<hbm>> -> memref<1000000x64xf32, #tpu.memory_space<hbm>>
        tpu.enqueue_indirect_dma source(%dma_start3A_636 : memref<1000000x64xf32, #tpu.memory_space<hbm>>) target(%dma_start3A_632 : memref<128x64xf32, #tpu.memory_space<vmem>>) offsets(%dma_start3A_633 : memref<128xi32, #tpu.memory_space<vmem>>) semaphore(%arg11 : memref<!tpu.dma_semaphore, #tpu.memory_space<semaphore_mem>>)
      } else {
      }
      %dma_wait3A_484 = arith.constant 1152 : i32
      %dma_wait3A_485 = arith.constant 0 : i32
      %dma_wait3A_486 = tpu.memref_slice %arg6[%dma_wait3A_484, %dma_wait3A_485] : memref<1664x64xf32, #tpu.memory_space<vmem>> -> memref<128x64xf32, #tpu.memory_space<vmem>>
      %dma_wait3A_487 = arith.constant 0 : i32
      %dma_wait3A_488 = arith.constant 0 : i32
      %dma_wait3A_489 = tpu.memref_slice %arg2[%dma_wait3A_487, %dma_wait3A_488] : memref<1000000x64xf32, #tpu.memory_space<hbm>> -> memref<128x64xf32, #tpu.memory_space<hbm>>
      %dma_wait3A_490 = arith.constant 1152 : i32
      %dma_wait3A_491 = arith.constant 0 : i32
      %dma_wait3A_492 = tpu.memref_slice %arg6[%dma_wait3A_490, %dma_wait3A_491] : memref<1664x64xf32, #tpu.memory_space<vmem>> -> memref<128x64xf32, #tpu.memory_space<vmem>>
      %dma_wait3A_493 = arith.constant 0 : i32
      %dma_wait3A_494 = arith.constant 0 : i32
      %dma_wait3A_495 = tpu.memref_slice %arg2[%dma_wait3A_493, %dma_wait3A_494] : memref<1000000x64xf32, #tpu.memory_space<hbm>> -> memref<128x64xf32, #tpu.memory_space<hbm>>
      tpu.wait_dma2 semaphore(%arg16 : memref<!tpu.dma_semaphore, #tpu.memory_space<semaphore_mem>>) src(%dma_wait3A_495 : memref<128x64xf32, #tpu.memory_space<hbm>>) dst(%dma_wait3A_492 : memref<128x64xf32, #tpu.memory_space<vmem>>)
      %mul3A_496 = arith.constant 128 : i32
      %mul3A_497 = arith.muli %add3A_471, %mul3A_496 : i32
      %add3A_498 = arith.addi %mul3A_2, %mul3A_497 : i32
      %dma_start3A_499 = arith.constant 1152 : i32
      %dma_start3A_500 = arith.constant 0 : i32
      %dma_start3A_501 = tpu.memref_slice %arg6[%dma_start3A_499, %dma_start3A_500] : memref<1664x64xf32, #tpu.memory_space<vmem>> -> memref<128x64xf32, #tpu.memory_space<vmem>>
      %dma_start3A_502 = arith.constant 0 : i32
      %dma_start3A_503 = tpu.memref_slice %arg4[%add3A_498, %dma_start3A_502] : memref<425984x64xf32, #tpu.memory_space<hbm>> -> memref<128x64xf32, #tpu.memory_space<hbm>>
      %dma_start3A_504 = arith.constant 0 : i32
      %dma_start3A_505 = tpu.memref_slice %arg4[%add3A_498, %dma_start3A_504] : memref<425984x64xf32, #tpu.memory_space<hbm>> -> memref<128x64xf32, #tpu.memory_space<hbm>>
      %dma_start3A_506 = arith.constant 1152 : i32
      %dma_start3A_507 = arith.constant 0 : i32
      %dma_start3A_508 = tpu.memref_slice %arg6[%dma_start3A_506, %dma_start3A_507] : memref<1664x64xf32, #tpu.memory_space<vmem>> -> memref<128x64xf32, #tpu.memory_space<vmem>>
      tpu.enqueue_dma source(%dma_start3A_508 : memref<128x64xf32, #tpu.memory_space<vmem>>) target(%dma_start3A_505 : memref<128x64xf32, #tpu.memory_space<hbm>>) target_semaphore(%arg29 : memref<!tpu.dma_semaphore, #tpu.memory_space<semaphore_mem>>)
      %add3A_509 = arith.constant 10 : i32
      %add3A_510 = arith.addi %mul3A_122, %add3A_509 : i32
      %ge3A_511 = arith.constant 5 : i32
      %ge3A_512 = arith.cmpi sge, %add3A_510, %ge3A_511 : i32
      %convert_element_type3A_513 = arith.extui %ge3A_512 : i1 to i32
      %cond3A_514 = arith.constant 0 : i32
      %cond3A_515 = arith.cmpi ne, %convert_element_type3A_513, %cond3A_514 : i32
      scf.if %cond3A_515 {
        %dma_wait3A_626 = arith.constant 640 : i32
        %dma_wait3A_627 = arith.constant 0 : i32
        %dma_wait3A_628 = tpu.memref_slice %arg6[%dma_wait3A_626, %dma_wait3A_627] : memref<1664x64xf32, #tpu.memory_space<vmem>> -> memref<128x64xf32, #tpu.memory_space<vmem>>
        %dma_wait3A_629 = arith.constant 0 : i32
        %dma_wait3A_630 = tpu.memref_slice %arg4[%mul3A_2, %dma_wait3A_629] : memref<425984x64xf32, #tpu.memory_space<hbm>> -> memref<128x64xf32, #tpu.memory_space<hbm>>
        %dma_wait3A_631 = arith.constant 0 : i32
        %dma_wait3A_632 = tpu.memref_slice %arg4[%mul3A_2, %dma_wait3A_631] : memref<425984x64xf32, #tpu.memory_space<hbm>> -> memref<128x64xf32, #tpu.memory_space<hbm>>
        %dma_wait3A_633 = arith.constant 640 : i32
        %dma_wait3A_634 = arith.constant 0 : i32
        %dma_wait3A_635 = tpu.memref_slice %arg6[%dma_wait3A_633, %dma_wait3A_634] : memref<1664x64xf32, #tpu.memory_space<vmem>> -> memref<128x64xf32, #tpu.memory_space<vmem>>
        tpu.wait_dma2 semaphore(%arg25 : memref<!tpu.dma_semaphore, #tpu.memory_space<semaphore_mem>>) src(%dma_wait3A_635 : memref<128x64xf32, #tpu.memory_space<vmem>>) dst(%dma_wait3A_632 : memref<128x64xf32, #tpu.memory_space<hbm>>)
      } else {
      }
      %add3A_516 = arith.constant 8 : i32
      %add3A_517 = arith.addi %add3A_510, %add3A_516 : i32
      %lt3A_518 = arith.constant 104 : i32
      %lt3A_519 = arith.cmpi slt, %add3A_517, %lt3A_518 : i32
      %convert_element_type3A_520 = arith.extui %lt3A_519 : i1 to i32
      %cond3A_521 = arith.constant 0 : i32
      %cond3A_522 = arith.cmpi ne, %convert_element_type3A_520, %cond3A_521 : i32
      scf.if %cond3A_522 {
        %add3A_626 = arith.constant 8 : i32
        %add3A_627 = arith.addi %add3A_510, %add3A_626 : i32
        %mul3A_628 = arith.constant 128 : i32
        %mul3A_629 = arith.muli %add3A_627, %mul3A_628 : i32
        %dma_start3A_630 = arith.constant 640 : i32
        %dma_start3A_631 = arith.constant 0 : i32
        %dma_start3A_632 = tpu.memref_slice %arg6[%dma_start3A_630, %dma_start3A_631] : memref<1664x64xf32, #tpu.memory_space<vmem>> -> memref<128x64xf32, #tpu.memory_space<vmem>>
        %dma_start3A_633 = tpu.memref_slice %arg5[%mul3A_629] : memref<13312xi32, #tpu.memory_space<vmem>> -> memref<128xi32, #tpu.memory_space<vmem>>
        %dma_start3A_634 = arith.constant 0 : i32
        %dma_start3A_635 = arith.constant 0 : i32
        %dma_start3A_636 = tpu.memref_slice %arg2[%dma_start3A_634, %dma_start3A_635] : memref<1000000x64xf32, #tpu.memory_space<hbm>> -> memref<1000000x64xf32, #tpu.memory_space<hbm>>
        tpu.enqueue_indirect_dma source(%dma_start3A_636 : memref<1000000x64xf32, #tpu.memory_space<hbm>>) target(%dma_start3A_632 : memref<128x64xf32, #tpu.memory_space<vmem>>) offsets(%dma_start3A_633 : memref<128xi32, #tpu.memory_space<vmem>>) semaphore(%arg12 : memref<!tpu.dma_semaphore, #tpu.memory_space<semaphore_mem>>)
      } else {
      }
      %dma_wait3A_523 = arith.constant 1280 : i32
      %dma_wait3A_524 = arith.constant 0 : i32
      %dma_wait3A_525 = tpu.memref_slice %arg6[%dma_wait3A_523, %dma_wait3A_524] : memref<1664x64xf32, #tpu.memory_space<vmem>> -> memref<128x64xf32, #tpu.memory_space<vmem>>
      %dma_wait3A_526 = arith.constant 0 : i32
      %dma_wait3A_527 = arith.constant 0 : i32
      %dma_wait3A_528 = tpu.memref_slice %arg2[%dma_wait3A_526, %dma_wait3A_527] : memref<1000000x64xf32, #tpu.memory_space<hbm>> -> memref<128x64xf32, #tpu.memory_space<hbm>>
      %dma_wait3A_529 = arith.constant 1280 : i32
      %dma_wait3A_530 = arith.constant 0 : i32
      %dma_wait3A_531 = tpu.memref_slice %arg6[%dma_wait3A_529, %dma_wait3A_530] : memref<1664x64xf32, #tpu.memory_space<vmem>> -> memref<128x64xf32, #tpu.memory_space<vmem>>
      %dma_wait3A_532 = arith.constant 0 : i32
      %dma_wait3A_533 = arith.constant 0 : i32
      %dma_wait3A_534 = tpu.memref_slice %arg2[%dma_wait3A_532, %dma_wait3A_533] : memref<1000000x64xf32, #tpu.memory_space<hbm>> -> memref<128x64xf32, #tpu.memory_space<hbm>>
      tpu.wait_dma2 semaphore(%arg17 : memref<!tpu.dma_semaphore, #tpu.memory_space<semaphore_mem>>) src(%dma_wait3A_534 : memref<128x64xf32, #tpu.memory_space<hbm>>) dst(%dma_wait3A_531 : memref<128x64xf32, #tpu.memory_space<vmem>>)
      %mul3A_535 = arith.constant 128 : i32
      %mul3A_536 = arith.muli %add3A_510, %mul3A_535 : i32
      %add3A_537 = arith.addi %mul3A_2, %mul3A_536 : i32
      %dma_start3A_538 = arith.constant 1280 : i32
      %dma_start3A_539 = arith.constant 0 : i32
      %dma_start3A_540 = tpu.memref_slice %arg6[%dma_start3A_538, %dma_start3A_539] : memref<1664x64xf32, #tpu.memory_space<vmem>> -> memref<128x64xf32, #tpu.memory_space<vmem>>
      %dma_start3A_541 = arith.constant 0 : i32
      %dma_start3A_542 = tpu.memref_slice %arg4[%add3A_537, %dma_start3A_541] : memref<425984x64xf32, #tpu.memory_space<hbm>> -> memref<128x64xf32, #tpu.memory_space<hbm>>
      %dma_start3A_543 = arith.constant 0 : i32
      %dma_start3A_544 = tpu.memref_slice %arg4[%add3A_537, %dma_start3A_543] : memref<425984x64xf32, #tpu.memory_space<hbm>> -> memref<128x64xf32, #tpu.memory_space<hbm>>
      %dma_start3A_545 = arith.constant 1280 : i32
      %dma_start3A_546 = arith.constant 0 : i32
      %dma_start3A_547 = tpu.memref_slice %arg6[%dma_start3A_545, %dma_start3A_546] : memref<1664x64xf32, #tpu.memory_space<vmem>> -> memref<128x64xf32, #tpu.memory_space<vmem>>
      tpu.enqueue_dma source(%dma_start3A_547 : memref<128x64xf32, #tpu.memory_space<vmem>>) target(%dma_start3A_544 : memref<128x64xf32, #tpu.memory_space<hbm>>) target_semaphore(%arg30 : memref<!tpu.dma_semaphore, #tpu.memory_space<semaphore_mem>>)
      %add3A_548 = arith.constant 11 : i32
      %add3A_549 = arith.addi %mul3A_122, %add3A_548 : i32
      %ge3A_550 = arith.constant 5 : i32
      %ge3A_551 = arith.cmpi sge, %add3A_549, %ge3A_550 : i32
      %convert_element_type3A_552 = arith.extui %ge3A_551 : i1 to i32
      %cond3A_553 = arith.constant 0 : i32
      %cond3A_554 = arith.cmpi ne, %convert_element_type3A_552, %cond3A_553 : i32
      scf.if %cond3A_554 {
        %dma_wait3A_626 = arith.constant 768 : i32
        %dma_wait3A_627 = arith.constant 0 : i32
        %dma_wait3A_628 = tpu.memref_slice %arg6[%dma_wait3A_626, %dma_wait3A_627] : memref<1664x64xf32, #tpu.memory_space<vmem>> -> memref<128x64xf32, #tpu.memory_space<vmem>>
        %dma_wait3A_629 = arith.constant 0 : i32
        %dma_wait3A_630 = tpu.memref_slice %arg4[%mul3A_2, %dma_wait3A_629] : memref<425984x64xf32, #tpu.memory_space<hbm>> -> memref<128x64xf32, #tpu.memory_space<hbm>>
        %dma_wait3A_631 = arith.constant 0 : i32
        %dma_wait3A_632 = tpu.memref_slice %arg4[%mul3A_2, %dma_wait3A_631] : memref<425984x64xf32, #tpu.memory_space<hbm>> -> memref<128x64xf32, #tpu.memory_space<hbm>>
        %dma_wait3A_633 = arith.constant 768 : i32
        %dma_wait3A_634 = arith.constant 0 : i32
        %dma_wait3A_635 = tpu.memref_slice %arg6[%dma_wait3A_633, %dma_wait3A_634] : memref<1664x64xf32, #tpu.memory_space<vmem>> -> memref<128x64xf32, #tpu.memory_space<vmem>>
        tpu.wait_dma2 semaphore(%arg26 : memref<!tpu.dma_semaphore, #tpu.memory_space<semaphore_mem>>) src(%dma_wait3A_635 : memref<128x64xf32, #tpu.memory_space<vmem>>) dst(%dma_wait3A_632 : memref<128x64xf32, #tpu.memory_space<hbm>>)
      } else {
      }
      %add3A_555 = arith.constant 8 : i32
      %add3A_556 = arith.addi %add3A_549, %add3A_555 : i32
      %lt3A_557 = arith.constant 104 : i32
      %lt3A_558 = arith.cmpi slt, %add3A_556, %lt3A_557 : i32
      %convert_element_type3A_559 = arith.extui %lt3A_558 : i1 to i32
      %cond3A_560 = arith.constant 0 : i32
      %cond3A_561 = arith.cmpi ne, %convert_element_type3A_559, %cond3A_560 : i32
      scf.if %cond3A_561 {
        %add3A_626 = arith.constant 8 : i32
        %add3A_627 = arith.addi %add3A_549, %add3A_626 : i32
        %mul3A_628 = arith.constant 128 : i32
        %mul3A_629 = arith.muli %add3A_627, %mul3A_628 : i32
        %dma_start3A_630 = arith.constant 768 : i32
        %dma_start3A_631 = arith.constant 0 : i32
        %dma_start3A_632 = tpu.memref_slice %arg6[%dma_start3A_630, %dma_start3A_631] : memref<1664x64xf32, #tpu.memory_space<vmem>> -> memref<128x64xf32, #tpu.memory_space<vmem>>
        %dma_start3A_633 = tpu.memref_slice %arg5[%mul3A_629] : memref<13312xi32, #tpu.memory_space<vmem>> -> memref<128xi32, #tpu.memory_space<vmem>>
        %dma_start3A_634 = arith.constant 0 : i32
        %dma_start3A_635 = arith.constant 0 : i32
        %dma_start3A_636 = tpu.memref_slice %arg2[%dma_start3A_634, %dma_start3A_635] : memref<1000000x64xf32, #tpu.memory_space<hbm>> -> memref<1000000x64xf32, #tpu.memory_space<hbm>>
        tpu.enqueue_indirect_dma source(%dma_start3A_636 : memref<1000000x64xf32, #tpu.memory_space<hbm>>) target(%dma_start3A_632 : memref<128x64xf32, #tpu.memory_space<vmem>>) offsets(%dma_start3A_633 : memref<128xi32, #tpu.memory_space<vmem>>) semaphore(%arg13 : memref<!tpu.dma_semaphore, #tpu.memory_space<semaphore_mem>>)
      } else {
      }
      %dma_wait3A_562 = arith.constant 1408 : i32
      %dma_wait3A_563 = arith.constant 0 : i32
      %dma_wait3A_564 = tpu.memref_slice %arg6[%dma_wait3A_562, %dma_wait3A_563] : memref<1664x64xf32, #tpu.memory_space<vmem>> -> memref<128x64xf32, #tpu.memory_space<vmem>>
      %dma_wait3A_565 = arith.constant 0 : i32
      %dma_wait3A_566 = arith.constant 0 : i32
      %dma_wait3A_567 = tpu.memref_slice %arg2[%dma_wait3A_565, %dma_wait3A_566] : memref<1000000x64xf32, #tpu.memory_space<hbm>> -> memref<128x64xf32, #tpu.memory_space<hbm>>
      %dma_wait3A_568 = arith.constant 1408 : i32
      %dma_wait3A_569 = arith.constant 0 : i32
      %dma_wait3A_570 = tpu.memref_slice %arg6[%dma_wait3A_568, %dma_wait3A_569] : memref<1664x64xf32, #tpu.memory_space<vmem>> -> memref<128x64xf32, #tpu.memory_space<vmem>>
      %dma_wait3A_571 = arith.constant 0 : i32
      %dma_wait3A_572 = arith.constant 0 : i32
      %dma_wait3A_573 = tpu.memref_slice %arg2[%dma_wait3A_571, %dma_wait3A_572] : memref<1000000x64xf32, #tpu.memory_space<hbm>> -> memref<128x64xf32, #tpu.memory_space<hbm>>
      tpu.wait_dma2 semaphore(%arg18 : memref<!tpu.dma_semaphore, #tpu.memory_space<semaphore_mem>>) src(%dma_wait3A_573 : memref<128x64xf32, #tpu.memory_space<hbm>>) dst(%dma_wait3A_570 : memref<128x64xf32, #tpu.memory_space<vmem>>)
      %mul3A_574 = arith.constant 128 : i32
      %mul3A_575 = arith.muli %add3A_549, %mul3A_574 : i32
      %add3A_576 = arith.addi %mul3A_2, %mul3A_575 : i32
      %dma_start3A_577 = arith.constant 1408 : i32
      %dma_start3A_578 = arith.constant 0 : i32
      %dma_start3A_579 = tpu.memref_slice %arg6[%dma_start3A_577, %dma_start3A_578] : memref<1664x64xf32, #tpu.memory_space<vmem>> -> memref<128x64xf32, #tpu.memory_space<vmem>>
      %dma_start3A_580 = arith.constant 0 : i32
      %dma_start3A_581 = tpu.memref_slice %arg4[%add3A_576, %dma_start3A_580] : memref<425984x64xf32, #tpu.memory_space<hbm>> -> memref<128x64xf32, #tpu.memory_space<hbm>>
      %dma_start3A_582 = arith.constant 0 : i32
      %dma_start3A_583 = tpu.memref_slice %arg4[%add3A_576, %dma_start3A_582] : memref<425984x64xf32, #tpu.memory_space<hbm>> -> memref<128x64xf32, #tpu.memory_space<hbm>>
      %dma_start3A_584 = arith.constant 1408 : i32
      %dma_start3A_585 = arith.constant 0 : i32
      %dma_start3A_586 = tpu.memref_slice %arg6[%dma_start3A_584, %dma_start3A_585] : memref<1664x64xf32, #tpu.memory_space<vmem>> -> memref<128x64xf32, #tpu.memory_space<vmem>>
      tpu.enqueue_dma source(%dma_start3A_586 : memref<128x64xf32, #tpu.memory_space<vmem>>) target(%dma_start3A_583 : memref<128x64xf32, #tpu.memory_space<hbm>>) target_semaphore(%arg31 : memref<!tpu.dma_semaphore, #tpu.memory_space<semaphore_mem>>)
      %add3A_587 = arith.constant 12 : i32
      %add3A_588 = arith.addi %mul3A_122, %add3A_587 : i32
      %ge3A_589 = arith.constant 5 : i32
      %ge3A_590 = arith.cmpi sge, %add3A_588, %ge3A_589 : i32
      %convert_element_type3A_591 = arith.extui %ge3A_590 : i1 to i32
      %cond3A_592 = arith.constant 0 : i32
      %cond3A_593 = arith.cmpi ne, %convert_element_type3A_591, %cond3A_592 : i32
      scf.if %cond3A_593 {
        %dma_wait3A_626 = arith.constant 896 : i32
        %dma_wait3A_627 = arith.constant 0 : i32
        %dma_wait3A_628 = tpu.memref_slice %arg6[%dma_wait3A_626, %dma_wait3A_627] : memref<1664x64xf32, #tpu.memory_space<vmem>> -> memref<128x64xf32, #tpu.memory_space<vmem>>
        %dma_wait3A_629 = arith.constant 0 : i32
        %dma_wait3A_630 = tpu.memref_slice %arg4[%mul3A_2, %dma_wait3A_629] : memref<425984x64xf32, #tpu.memory_space<hbm>> -> memref<128x64xf32, #tpu.memory_space<hbm>>
        %dma_wait3A_631 = arith.constant 0 : i32
        %dma_wait3A_632 = tpu.memref_slice %arg4[%mul3A_2, %dma_wait3A_631] : memref<425984x64xf32, #tpu.memory_space<hbm>> -> memref<128x64xf32, #tpu.memory_space<hbm>>
        %dma_wait3A_633 = arith.constant 896 : i32
        %dma_wait3A_634 = arith.constant 0 : i32
        %dma_wait3A_635 = tpu.memref_slice %arg6[%dma_wait3A_633, %dma_wait3A_634] : memref<1664x64xf32, #tpu.memory_space<vmem>> -> memref<128x64xf32, #tpu.memory_space<vmem>>
        tpu.wait_dma2 semaphore(%arg27 : memref<!tpu.dma_semaphore, #tpu.memory_space<semaphore_mem>>) src(%dma_wait3A_635 : memref<128x64xf32, #tpu.memory_space<vmem>>) dst(%dma_wait3A_632 : memref<128x64xf32, #tpu.memory_space<hbm>>)
      } else {
      }
      %add3A_594 = arith.constant 8 : i32
      %add3A_595 = arith.addi %add3A_588, %add3A_594 : i32
      %lt3A_596 = arith.constant 104 : i32
      %lt3A_597 = arith.cmpi slt, %add3A_595, %lt3A_596 : i32
      %convert_element_type3A_598 = arith.extui %lt3A_597 : i1 to i32
      %cond3A_599 = arith.constant 0 : i32
      %cond3A_600 = arith.cmpi ne, %convert_element_type3A_598, %cond3A_599 : i32
      scf.if %cond3A_600 {
        %add3A_626 = arith.constant 8 : i32
        %add3A_627 = arith.addi %add3A_588, %add3A_626 : i32
        %mul3A_628 = arith.constant 128 : i32
        %mul3A_629 = arith.muli %add3A_627, %mul3A_628 : i32
        %dma_start3A_630 = arith.constant 896 : i32
        %dma_start3A_631 = arith.constant 0 : i32
        %dma_start3A_632 = tpu.memref_slice %arg6[%dma_start3A_630, %dma_start3A_631] : memref<1664x64xf32, #tpu.memory_space<vmem>> -> memref<128x64xf32, #tpu.memory_space<vmem>>
        %dma_start3A_633 = tpu.memref_slice %arg5[%mul3A_629] : memref<13312xi32, #tpu.memory_space<vmem>> -> memref<128xi32, #tpu.memory_space<vmem>>
        %dma_start3A_634 = arith.constant 0 : i32
        %dma_start3A_635 = arith.constant 0 : i32
        %dma_start3A_636 = tpu.memref_slice %arg2[%dma_start3A_634, %dma_start3A_635] : memref<1000000x64xf32, #tpu.memory_space<hbm>> -> memref<1000000x64xf32, #tpu.memory_space<hbm>>
        tpu.enqueue_indirect_dma source(%dma_start3A_636 : memref<1000000x64xf32, #tpu.memory_space<hbm>>) target(%dma_start3A_632 : memref<128x64xf32, #tpu.memory_space<vmem>>) offsets(%dma_start3A_633 : memref<128xi32, #tpu.memory_space<vmem>>) semaphore(%arg14 : memref<!tpu.dma_semaphore, #tpu.memory_space<semaphore_mem>>)
      } else {
      }
      %dma_wait3A_601 = arith.constant 1536 : i32
      %dma_wait3A_602 = arith.constant 0 : i32
      %dma_wait3A_603 = tpu.memref_slice %arg6[%dma_wait3A_601, %dma_wait3A_602] : memref<1664x64xf32, #tpu.memory_space<vmem>> -> memref<128x64xf32, #tpu.memory_space<vmem>>
      %dma_wait3A_604 = arith.constant 0 : i32
      %dma_wait3A_605 = arith.constant 0 : i32
      %dma_wait3A_606 = tpu.memref_slice %arg2[%dma_wait3A_604, %dma_wait3A_605] : memref<1000000x64xf32, #tpu.memory_space<hbm>> -> memref<128x64xf32, #tpu.memory_space<hbm>>
      %dma_wait3A_607 = arith.constant 1536 : i32
      %dma_wait3A_608 = arith.constant 0 : i32
      %dma_wait3A_609 = tpu.memref_slice %arg6[%dma_wait3A_607, %dma_wait3A_608] : memref<1664x64xf32, #tpu.memory_space<vmem>> -> memref<128x64xf32, #tpu.memory_space<vmem>>
      %dma_wait3A_610 = arith.constant 0 : i32
      %dma_wait3A_611 = arith.constant 0 : i32
      %dma_wait3A_612 = tpu.memref_slice %arg2[%dma_wait3A_610, %dma_wait3A_611] : memref<1000000x64xf32, #tpu.memory_space<hbm>> -> memref<128x64xf32, #tpu.memory_space<hbm>>
      tpu.wait_dma2 semaphore(%arg19 : memref<!tpu.dma_semaphore, #tpu.memory_space<semaphore_mem>>) src(%dma_wait3A_612 : memref<128x64xf32, #tpu.memory_space<hbm>>) dst(%dma_wait3A_609 : memref<128x64xf32, #tpu.memory_space<vmem>>)
      %mul3A_613 = arith.constant 128 : i32
      %mul3A_614 = arith.muli %add3A_588, %mul3A_613 : i32
      %add3A_615 = arith.addi %mul3A_2, %mul3A_614 : i32
      %dma_start3A_616 = arith.constant 1536 : i32
      %dma_start3A_617 = arith.constant 0 : i32
      %dma_start3A_618 = tpu.memref_slice %arg6[%dma_start3A_616, %dma_start3A_617] : memref<1664x64xf32, #tpu.memory_space<vmem>> -> memref<128x64xf32, #tpu.memory_space<vmem>>
      %dma_start3A_619 = arith.constant 0 : i32
      %dma_start3A_620 = tpu.memref_slice %arg4[%add3A_615, %dma_start3A_619] : memref<425984x64xf32, #tpu.memory_space<hbm>> -> memref<128x64xf32, #tpu.memory_space<hbm>>
      %dma_start3A_621 = arith.constant 0 : i32
      %dma_start3A_622 = tpu.memref_slice %arg4[%add3A_615, %dma_start3A_621] : memref<425984x64xf32, #tpu.memory_space<hbm>> -> memref<128x64xf32, #tpu.memory_space<hbm>>
      %dma_start3A_623 = arith.constant 1536 : i32
      %dma_start3A_624 = arith.constant 0 : i32
      %dma_start3A_625 = tpu.memref_slice %arg6[%dma_start3A_623, %dma_start3A_624] : memref<1664x64xf32, #tpu.memory_space<vmem>> -> memref<128x64xf32, #tpu.memory_space<vmem>>
      tpu.enqueue_dma source(%dma_start3A_625 : memref<128x64xf32, #tpu.memory_space<vmem>>) target(%dma_start3A_622 : memref<128x64xf32, #tpu.memory_space<hbm>>) target_semaphore(%arg32 : memref<!tpu.dma_semaphore, #tpu.memory_space<semaphore_mem>>)
    }
    %scan3A_70 = arith.constant 8 : i32
    %dma_wait3A = arith.constant 1024 : i32
    %dma_wait3A_71 = arith.constant 0 : i32
    %dma_wait3A_72 = tpu.memref_slice %arg6[%dma_wait3A, %dma_wait3A_71] : memref<1664x64xf32, #tpu.memory_space<vmem>> -> memref<128x64xf32, #tpu.memory_space<vmem>>
    %dma_wait3A_73 = arith.constant 0 : i32
    %dma_wait3A_74 = tpu.memref_slice %arg4[%mul3A_2, %dma_wait3A_73] : memref<425984x64xf32, #tpu.memory_space<hbm>> -> memref<128x64xf32, #tpu.memory_space<hbm>>
    %dma_wait3A_75 = arith.constant 0 : i32
    %dma_wait3A_76 = tpu.memref_slice %arg4[%mul3A_2, %dma_wait3A_75] : memref<425984x64xf32, #tpu.memory_space<hbm>> -> memref<128x64xf32, #tpu.memory_space<hbm>>
    %dma_wait3A_77 = arith.constant 1024 : i32
    %dma_wait3A_78 = arith.constant 0 : i32
    %dma_wait3A_79 = tpu.memref_slice %arg6[%dma_wait3A_77, %dma_wait3A_78] : memref<1664x64xf32, #tpu.memory_space<vmem>> -> memref<128x64xf32, #tpu.memory_space<vmem>>
    tpu.wait_dma2 semaphore(%arg28 : memref<!tpu.dma_semaphore, #tpu.memory_space<semaphore_mem>>) src(%dma_wait3A_79 : memref<128x64xf32, #tpu.memory_space<vmem>>) dst(%dma_wait3A_76 : memref<128x64xf32, #tpu.memory_space<hbm>>)
    %dma_wait3A_80 = arith.constant 1152 : i32
    %dma_wait3A_81 = arith.constant 0 : i32
    %dma_wait3A_82 = tpu.memref_slice %arg6[%dma_wait3A_80, %dma_wait3A_81] : memref<1664x64xf32, #tpu.memory_space<vmem>> -> memref<128x64xf32, #tpu.memory_space<vmem>>
    %dma_wait3A_83 = arith.constant 0 : i32
    %dma_wait3A_84 = tpu.memref_slice %arg4[%mul3A_2, %dma_wait3A_83] : memref<425984x64xf32, #tpu.memory_space<hbm>> -> memref<128x64xf32, #tpu.memory_space<hbm>>
    %dma_wait3A_85 = arith.constant 0 : i32
    %dma_wait3A_86 = tpu.memref_slice %arg4[%mul3A_2, %dma_wait3A_85] : memref<425984x64xf32, #tpu.memory_space<hbm>> -> memref<128x64xf32, #tpu.memory_space<hbm>>
    %dma_wait3A_87 = arith.constant 1152 : i32
    %dma_wait3A_88 = arith.constant 0 : i32
    %dma_wait3A_89 = tpu.memref_slice %arg6[%dma_wait3A_87, %dma_wait3A_88] : memref<1664x64xf32, #tpu.memory_space<vmem>> -> memref<128x64xf32, #tpu.memory_space<vmem>>
    tpu.wait_dma2 semaphore(%arg29 : memref<!tpu.dma_semaphore, #tpu.memory_space<semaphore_mem>>) src(%dma_wait3A_89 : memref<128x64xf32, #tpu.memory_space<vmem>>) dst(%dma_wait3A_86 : memref<128x64xf32, #tpu.memory_space<hbm>>)
    %dma_wait3A_90 = arith.constant 1280 : i32
    %dma_wait3A_91 = arith.constant 0 : i32
    %dma_wait3A_92 = tpu.memref_slice %arg6[%dma_wait3A_90, %dma_wait3A_91] : memref<1664x64xf32, #tpu.memory_space<vmem>> -> memref<128x64xf32, #tpu.memory_space<vmem>>
    %dma_wait3A_93 = arith.constant 0 : i32
    %dma_wait3A_94 = tpu.memref_slice %arg4[%mul3A_2, %dma_wait3A_93] : memref<425984x64xf32, #tpu.memory_space<hbm>> -> memref<128x64xf32, #tpu.memory_space<hbm>>
    %dma_wait3A_95 = arith.constant 0 : i32
    %dma_wait3A_96 = tpu.memref_slice %arg4[%mul3A_2, %dma_wait3A_95] : memref<425984x64xf32, #tpu.memory_space<hbm>> -> memref<128x64xf32, #tpu.memory_space<hbm>>
    %dma_wait3A_97 = arith.constant 1280 : i32
    %dma_wait3A_98 = arith.constant 0 : i32
    %dma_wait3A_99 = tpu.memref_slice %arg6[%dma_wait3A_97, %dma_wait3A_98] : memref<1664x64xf32, #tpu.memory_space<vmem>> -> memref<128x64xf32, #tpu.memory_space<vmem>>
    tpu.wait_dma2 semaphore(%arg30 : memref<!tpu.dma_semaphore, #tpu.memory_space<semaphore_mem>>) src(%dma_wait3A_99 : memref<128x64xf32, #tpu.memory_space<vmem>>) dst(%dma_wait3A_96 : memref<128x64xf32, #tpu.memory_space<hbm>>)
    %dma_wait3A_100 = arith.constant 1408 : i32
    %dma_wait3A_101 = arith.constant 0 : i32
    %dma_wait3A_102 = tpu.memref_slice %arg6[%dma_wait3A_100, %dma_wait3A_101] : memref<1664x64xf32, #tpu.memory_space<vmem>> -> memref<128x64xf32, #tpu.memory_space<vmem>>
    %dma_wait3A_103 = arith.constant 0 : i32
    %dma_wait3A_104 = tpu.memref_slice %arg4[%mul3A_2, %dma_wait3A_103] : memref<425984x64xf32, #tpu.memory_space<hbm>> -> memref<128x64xf32, #tpu.memory_space<hbm>>
    %dma_wait3A_105 = arith.constant 0 : i32
    %dma_wait3A_106 = tpu.memref_slice %arg4[%mul3A_2, %dma_wait3A_105] : memref<425984x64xf32, #tpu.memory_space<hbm>> -> memref<128x64xf32, #tpu.memory_space<hbm>>
    %dma_wait3A_107 = arith.constant 1408 : i32
    %dma_wait3A_108 = arith.constant 0 : i32
    %dma_wait3A_109 = tpu.memref_slice %arg6[%dma_wait3A_107, %dma_wait3A_108] : memref<1664x64xf32, #tpu.memory_space<vmem>> -> memref<128x64xf32, #tpu.memory_space<vmem>>
    tpu.wait_dma2 semaphore(%arg31 : memref<!tpu.dma_semaphore, #tpu.memory_space<semaphore_mem>>) src(%dma_wait3A_109 : memref<128x64xf32, #tpu.memory_space<vmem>>) dst(%dma_wait3A_106 : memref<128x64xf32, #tpu.memory_space<hbm>>)
    %dma_wait3A_110 = arith.constant 1536 : i32
    %dma_wait3A_111 = arith.constant 0 : i32
    %dma_wait3A_112 = tpu.memref_slice %arg6[%dma_wait3A_110, %dma_wait3A_111] : memref<1664x64xf32, #tpu.memory_space<vmem>> -> memref<128x64xf32, #tpu.memory_space<vmem>>
    %dma_wait3A_113 = arith.constant 0 : i32
    %dma_wait3A_114 = tpu.memref_slice %arg4[%mul3A_2, %dma_wait3A_113] : memref<425984x64xf32, #tpu.memory_space<hbm>> -> memref<128x64xf32, #tpu.memory_space<hbm>>
    %dma_wait3A_115 = arith.constant 0 : i32
    %dma_wait3A_116 = tpu.memref_slice %arg4[%mul3A_2, %dma_wait3A_115] : memref<425984x64xf32, #tpu.memory_space<hbm>> -> memref<128x64xf32, #tpu.memory_space<hbm>>
    %dma_wait3A_117 = arith.constant 1536 : i32
    %dma_wait3A_118 = arith.constant 0 : i32
    %dma_wait3A_119 = tpu.memref_slice %arg6[%dma_wait3A_117, %dma_wait3A_118] : memref<1664x64xf32, #tpu.memory_space<vmem>> -> memref<128x64xf32, #tpu.memory_space<vmem>>
    tpu.wait_dma2 semaphore(%arg32 : memref<!tpu.dma_semaphore, #tpu.memory_space<semaphore_mem>>) src(%dma_wait3A_119 : memref<128x64xf32, #tpu.memory_space<vmem>>) dst(%dma_wait3A_116 : memref<128x64xf32, #tpu.memory_space<hbm>>)
    return
  }
}

</mosaic_0001>

<sc_bundles>
// kernel: kernel.3.cloned.1.call-start
scs
__scs_entry_jumppad:
0x0: {  	(pc) =	sbr.rel $0x88, $3  }
0x1: {  	(tag) =	ssettag $0x0;
	lr =	simm.s32 $0x1  }
0x2: {  	[smem:$0x3F9F] =	sst lr;
	_ =	strace $0xD0000000  }
0x3: {  	_ = 	snop  }
0x4: {  	_ = 	snop  }
0x5: {  	_ = 	snop  }
0x6: {  	_ = 	snop  }
0x7: {  	_ = 	snop  }
__scs_overlays_trampoline_lowered:
0x8: {  	[smem:$0x3FAE] =	sst s0  }
0x9: {  	[smem:$0x3FAF] =	sst s1  }
0xa: {  	[smem:$0x3FB0] =	sst s2  }
0xb: {  	[smem:$0x3FB1] =	sst s3  }
0xc: {  	[smem:$0x3FB2] =	sst s4  }
0xd: {  	[smem:$0x3FB3] =	sst s5  }
0xe: {  	[smem:$0x3FB4] =	sst s6  }
0xf: {  	[smem:$0x3FB5] =	sst s7  }
0x10: {  	[smem:$0x3FB6] =	sst s8  }
0x11: {  	[smem:$0x3FB7] =	sst s9;
	s0 =	simm.s32 @!p0 $0x0  }
0x12: {  	s1 =	sld [smem:$0x3F9D];
	s0 =	simm.s32 @p0 $0x1  }
0x13: {  	[smem:$0x3FB8] =	sst s0;
	s0 =	simm.s32 @!p1 $0x0  }
0x14: {  	s2 =	sld [smem:$0x3F9C];
	s0 =	simm.s32 @p1 $0x1  }
0x15: {  	[smem:$0x3FB9] =	sst s0;
	s0 =	simm.s32 @!p2 $0x0  }
0x16: {  	s3 =	sld [smem:$0x3FDB];
	s0 =	simm.s32 @p2 $0x1  }
0x17: {  	s4 =	simm.s32 $0x1BF5;
	[smem:$0x3FBB] =	sst s0  }
0x18: {  	s0 =	sld [smem:$0x3F9E];
	_ =	swait.ge [sflag:s4], $0x0  }
0x19: {  	s7 =	sld [smem:$0x3F9F]  }
0x1a: {  	s8 =	sadd.s32 $0xFFFFE003, lr  }
0x1b: {  	s9 =	sadd.s32 $0xFFFFFEF7, lr;
	s5 =	simm.s32 $0xFFFFFFFF;
	p2 =	slt.u32 s8, $0xFFFFF086  }
0x1c: {  	p1 =	slt.u32 s9, $0xF7A;
	s5 =	simm.s32 @!p2 $0x0  }
0x1d: {  	s5 =	simm.s32 @p1 $0x1;
	p0 =	seq.s32 s7, s2  }
0x1e: {  	s7 =	smul.u32 @!p0 $0xF7A, s2;
	p2 =	seq.s32 @!p0 s5, $0x0  }
0x1f: {  	s9 =	smul.u32 $0xF7A, s1;
	s8 =	simm.s32 @!p0 $0x1BF5;
	p2 =	por !p2, p0  }
0x20: {  	[sflag:s8] =	ssyncset.s32 @!p0 $0xFFFFF086;
	s6 =	sadd.s32 @!p0 s3, s7;
	s7 =	simm.s32 @!p0 $0x108  }
0x21: {  	s3 =	sadd.s32 s3, s9;
	s6 =	sadd.s32 @!p0 $0x88, s6;
	s7 =	simm.s32 @p2 $0x1082  }
0x22: {  	[simem:s7], [sflag:s8] =	dma.local @!p0 [hbm:s6], $0xF7A  }
0x23: {  	s9 =	sor.u32 $0xD0000000, s2;
	s6 =	simm.s32 $0x108;
	_ =	swait.ge @!p0 [sflag:s8], $0x0  }
0x24: {  	s3 =	sadd.s32 $0x88, s3;
	s6 =	simm.s32 @!p1 $0x1082;
	[sflag:s4] =	ssyncset.s32 $0xFFFFF086  }
0x25: {  	[simem:s6], [sflag:s4] =	dma.local [hbm:s3], $0xF7A  }
0x26: {  	[smem:$0x3F9F] =	sst s1;
	(tag) =	ssettag s2;
	_ =	strace s9  }
0x27: {  	s1 =	sld [smem:$0x3FAF]  }
0x28: {  	s2 =	sld [smem:$0x3FB0]  }
0x29: {  	s4 =	sld [smem:$0x3FB2]  }
0x2a: {  	p0 =	seq.s32 s5, $0x0;
	s5 =	sld [smem:$0x3FB3]  }
0x2b: {  	s6 =	sld [smem:$0x3FB4]  }
0x2c: {  	s7 =	sld [smem:$0x3FB5]  }
0x2d: {  	s3 =	simm.s32 $0x108;
	s8 =	sld [smem:$0x3FB6]  }
0x2e: {  	s3 =	simm.s32 @!p0 $0x1082;
	s9 =	sld [smem:$0x3FB7]  }
0x2f: {  	lr =	sadd.s32 s0, s3;
	s0 =	sld [smem:$0x3FAE]  }
0x30: {  	s3 =	sld [smem:$0x3FB1]  }
0x31: {  	[smem:$0x3FBA] =	sst s10  }
0x32: {  	s10 =	sld [smem:$0x3FB8];
	_ =	sdelay $0x3  }
0x33: {  	p0 =	seq.s32 s10, $0x1;
	s10 =	sld [smem:$0x3FBA];
	_ =	sdelay $0x3  }
0x34: {  	[smem:$0x3FBA] =	sst s10  }
0x35: {  	s10 =	sld [smem:$0x3FB9];
	_ =	sdelay $0x3  }
0x36: {  	p1 =	seq.s32 s10, $0x1;
	s10 =	sld [smem:$0x3FBA];
	_ =	sdelay $0x3  }
0x37: {  	[smem:$0x3FBA] =	sst s10  }
0x38: {  	s10 =	sld [smem:$0x3FBB]  }
0x39: {  	_ = 	snop;
	(pc) =	sbr.ind lr, $3  }
0x3a: {  	_ = 	snop  }
0x3b: {  	_ = 	snop  }
0x3c: {  	p2 =	seq.s32 s10, $0x1;
	s10 =	sld [smem:$0x3FBA]  }
0x3d: {  	_ =	shalt  }
0x3e: {  	_ =	shalt  }
0x3f: {  	_ =	shalt  }
0x40: {  	_ =	shalt  }
0x41: {  	_ =	shalt  }
0x42: {  	_ =	shalt  }
0x43: {  	_ =	shalt  }
0x44: {  	_ =	shalt  }
0x45: {  	_ =	shalt  }
0x46: {  	_ =	shalt  }
0x47: {  	_ =	shalt  }
0x48: {  	_ =	shalt  }
0x49: {  	_ =	shalt  }
0x4a: {  	_ =	shalt  }
0x4b: {  	_ =	shalt  }
0x4c: {  	_ =	shalt  }
0x4d: {  	_ =	shalt  }
0x4e: {  	_ =	shalt  }
0x4f: {  	_ =	shalt  }
0x50: {  	_ =	shalt  }
0x51: {  	_ =	shalt  }
0x52: {  	_ =	shalt  }
0x53: {  	_ =	shalt  }
0x54: {  	_ =	shalt  }
0x55: {  	_ =	shalt  }
0x56: {  	_ =	shalt  }
0x57: {  	_ =	shalt  }
0x58: {  	_ =	shalt  }
0x59: {  	_ =	shalt  }
0x5a: {  	_ =	shalt  }
0x5b: {  	_ =	shalt  }
0x5c: {  	_ =	shalt  }
0x5d: {  	_ =	shalt  }
0x5e: {  	_ =	shalt  }
0x5f: {  	_ =	shalt  }
0x60: {  	_ =	shalt  }
0x61: {  	_ =	shalt  }
0x62: {  	_ =	shalt  }
0x63: {  	_ =	shalt  }
0x64: {  	_ =	shalt  }
0x65: {  	_ =	shalt  }
0x66: {  	_ =	shalt  }
0x67: {  	_ =	shalt  }
0x68: {  	_ =	shalt  }
0x69: {  	_ =	shalt  }
0x6a: {  	_ =	shalt  }
0x6b: {  	_ =	shalt  }
0x6c: {  	_ =	shalt  }
0x6d: {  	_ =	shalt  }
0x6e: {  	_ =	shalt  }
0x6f: {  	_ =	shalt  }
0x70: {  	_ =	shalt  }
0x71: {  	_ =	shalt  }
0x72: {  	_ =	shalt  }
0x73: {  	_ =	shalt  }
0x74: {  	_ =	shalt  }
0x75: {  	_ =	shalt  }
0x76: {  	_ =	shalt  }
0x77: {  	_ =	shalt  }
0x78: {  	_ =	shalt  }
0x79: {  	_ =	shalt  }
0x7a: {  	_ =	shalt  }
0x7b: {  	_ =	shalt  }
0x7c: {  	_ =	shalt  }
0x7d: {  	_ =	shalt  }
0x7e: {  	_ =	shalt  }
0x7f: {  	_ =	shalt  }
0x80: {  	_ =	shalt  }
0x81: {  	_ =	shalt  }
0x82: {  	_ =	shalt  }
0x83: {  	_ =	shalt  }
0x84: {  	_ =	shalt  }
0x85: {  	_ =	shalt  }
0x86: {  	_ =	shalt  }
0x87: {  	_ =	shalt  }
.Lfunc_end0:
.L_simem_size_0:
called_computation.1_lowered:
.L_overlay_start_0:
0x88: {  	s2 =	sld [smem:$0x3FD9]  }
0x89: {  	s3 =	sld [smem:$0x3FFE];
	_ =	sdelay $0x1  }
0x8a: {  	s1 =	srdreg.scid  }
0x8b: {  	s0 =	sand.u32 $0x1, s1  }
0x8c: {  	s17 =	sshll.u32 s0, $0xA;
	s2 =	sadd.s32 s3, s2  }
0x8d: {  	s2 =	sadd.s32 s2, s17  }
0x8e: {  	[smem:$0x3FC6] =	sst s2  }
0x8f: {  	_ = 	snop  }
0x90: {  	s2 =	sld [smem:$0x3FD0];
	(tm) =	ssettm $0x1  }
0x91: {  	s18 =	sld [smem:$0x3FFB];
	_ =	sdelay $0x3  }
0x92: {  	_ =	strace s18  }
0x93: {  	s3 =	sld [smem:$0x3FFC];
	_ =	sdelay $0x3  }
0x94: {  	_ =	strace s3  }
0x95: {  	s3 =	sld [smem:$0x3FFD];
	_ =	sdelay $0x3  }
0x96: {  	_ =	strace s3  }
0x97: {  	_ =	strace $0x8FFFFFFF  }
0x98: {  	s19 =	sld [smem:$0x3FDB];
	_ =	sdelay $0x1  }
0x99: {  	s4 =	simm.s32 $_scs_section_size  }
0x9a: {  	s5 =	simm.s32 $_size__tile_overlayer_lowered;
	s6 =	simm.s32 $_tile_overlayer_lowered  }
0x9b: {  	s22 =	simm.s32 $0x1BFF;
	s21 =	sshll.u32 s6, $0x1;
	s3 =	sadd.s32 s4, s19  }
0x9c: {  	s7 =	simm.s32 $0x0;
	s20 =	sshll.u32 s5, $0x1;
	s5 =	sadd.s32 s21, s3  }
0x9d: {  	[timem:s7], [sflag:s22] =	dma.local [hbm:s5], s20  }
0x9e: {  	_ =	swait.ge [sflag:s22], s20  }
0x9f: {  	s4 =	ssub.s32 $0x0, s20;
	[sflag:s22] =	ssyncset.done $0x0  }
0xa0: {  	[sflag:s22] =	ssyncadd.s32 s4;
	_ =	sdelay $0x1  }
0xa1: {  	s23 =	simm.s32 $0x1B8B  }
0xa2: {  	_ =	swait.ge [sflag:s23], $0x1  }
0xa3: {  	[sflag:s23] =	ssyncset.done $0x0  }
0xa4: {  	s25 =	simm.s32 $0x1B8E;
	s24 =	sld [smem:$0x3FFE];
	[sflag:s23] =	ssyncadd.s32 $0xFFFFFFFF  }
0xa5: {  	s26 =	simm.s32 $execute0_lowered;
	[smem:$0x3FD2] =	sst s25  }
0xa6: {  	s5 =	sshll.u32 s26, $0x1;
	_ =	strace $0x80000046;
	[dreg:$0x1] =	wrdreg $0xFFFFFFFF  }
0xa7: {  	s28 =	simm.s32 $_size_execute0_lowered;
	s3 =	sadd.s32 s3, s5;
	[dreg:$0x0] =	wrdreg $0x0  }
0xa8: {  	s5 =	sshll.u32 s28, $0x1;
	[dreg:$0x2] =	wrdreg s3  }
0xa9: {  	[dreg:$0x3] =	wrdreg s5  }
0xaa: {  	[dreg:$0x4] =	wrdreg $0xC0  }
0xab: {  	_ =	task [dreg:s7], $0x5FFFF  }
0xac: {  	[dreg:$0x1] =	wrdreg $0xFFFFFFFF  }
0xad: {  	[dreg:$0x0] =	wrdreg $0x60  }
0xae: {  	[dreg:$0x2] =	wrdreg s24  }
0xaf: {  	[dreg:$0x3] =	wrdreg s2  }
0xb0: {  	[dreg:$0x4] =	wrdreg $0x9  }
0xb1: {  	_ =	task.clear_ibuf [dreg:s7], $0x5FFFF;
	_ =	strace $0x90000046  }
0xb2: {  	s29 =	simm.s32 $0x9;
	_ =	strace $0x80000048  }
0xb3: {  	_ =	swait.ge [sflag:s29], $0x1  }
0xb4: {  	[sflag:s29] =	ssyncadd.s32 $0xFFFFFFFF  }
0xb5: {  	_ =	strace $0x90000048  }
0xb6: {  	_ =	sfence  }
0xb7: {  	s30 =	sld [smem:$0x0];
	_ =	sdelay $0x2  }
0xb8: {  	s31 =	sshll.u32 s1, $0xD;
	s1 =	sshrl.u32 s1, $0x2  }
0xb9: {  	s3 =	sand.u32 $0x4000, s31;
	s1 =	sadd.s32 s1, s30  }
0xba: {  	s0 =	sor.u32 s3, s0;
	s1 =	sshll.u32 s1, $0x11  }
0xbb: {  	s0 =	sor.u32 s1, s0  }
0xbc: {  	s0 =	sadd.s32 $0x8F2B, s0  }
0xbd: {  	[sflag:s0] =	ssyncadd.remote.s32 $0x1  }
0xbe: {  	_ =	sfence.sel $0xFFFF  }
0xbf: {  	[dreg:$0x0] =	wrdreg $0xFFFFFFFF;
	(pc) =	sbr.abs _section_cstart, $3  }
0xc0: {  	[dreg:$0x1] =	wrdreg $0xFFFFFFFF  }
0xc1: {  	_ =	task.clear_ibuf [dreg:s7], $0x2FFFF;
	_ =	strace $0x9FFFFFFF  }
0xc2: {  	(tm) =	ssettm $0x7FFFFFFF  }
0xc3: {  	_ =	shalt  }
tec
execute0_lowered:
.L_overlay_start_1:
0x0: {  	(tag) =	ssettag $0x1  }
0x1: {  	s8 =	stileid.u32  }
0x2: {  	s5 =	smul.u32 $0x6800, s8  }
0x3: {  	s0 =	srdreg.scid;
	s7 =	smul.u32 $0x34000, s8  }
0x4: {  	s0 =	sand.u32 $0x1, s0;
	s1 =	sshll.u32 s8, $0x1;
	s8 =	smul.u32 $0x1A0000, s8  }
0x5: {  	s2 =	rddreg [dreg:$0x0];
	s3 =	simm.s32 $0x0;
	s6 =	smul.u32 $0x3400, s0  }
0x6: {  	[smem:$0x7FF] =	sst s3;
	s4 =	sadd.s32 $0xF42E00, s2;
	s28 =	smul.u32 $0xD0000, s0  }
0x7: {  	s1 =	sor.u32 s0, s1;
	s29 =	ssub.s32 $0x2, s0;
	s0 =	smul.u32 $0x1A000, s0  }
0x8: {  	s30 =	simm.s32 $0x1B400;
	_ =	strace $0x80000047;
	s1 =	smul.u32 $0x3400, s1  }
0x9: {  	s9 =	sshrl.u32 s29, $0x1;
	s26 =	sadd.s32 s6, s5;
	s5 =	sadd.s32 s28, s8  }
0xa: {  	s0 =	sadd.s32 s0, s7;
	s28 =	ssub.s32 s29, s9;
	s6 =	simm.s32 $0x9  }
0xb: {  	s9 =	simm.s32 $0x13;
	s1 =	sshrl.u32 s1, $0x3;
	s31 =	sadd.s32 $0x18000, s5  }
0xc: {  	[dreg:$0x4] =	wrdreg s0;
	s7 =	sadd.s32 $0x16000, s5;
	s10 =	sadd.s32 $0x14000, s5  }
0xd: {  	s12 =	sadd.s32 $0x12000, s5;
	s14 =	sadd.s32 $0x10000, s5;
	s16 =	sor.u32 $0xE000, s5  }
0xe: {  	s18 =	sor.u32 $0xC000, s5;
	s20 =	sor.u32 $0x8000, s5;
	s8 =	sshrl.u32 s7, $0x3  }
0xf: {  	s22 =	sor.u32 $0x6000, s5;
	s11 =	sshrl.u32 s10, $0x3;
	[dreg:$0x6] =	wrdreg s8  }
0x10: {  	s24 =	sor.u32 $0x4000, s5;
	s13 =	sshrl.u32 s12, $0x3;
	[dreg:$0x7] =	wrdreg s11  }
0x11: {  	s1 =	sadd.s32 s1, s2;
	s15 =	sshrl.u32 s14, $0x3;
	[dreg:$0x8] =	wrdreg s13  }
0x12: {  	s2 =	sshll.u32 s26, $0x3;
	s17 =	sshrl.u32 s16, $0x3;
	[dreg:$0x9] =	wrdreg s15  }
0x13: {  	s19 =	sshrl.u32 s18, $0x3;
	s21 =	sshrl.u32 s20, $0x3;
	[dreg:$0xa] =	wrdreg s17  }
0x14: {  	s23 =	sshrl.u32 s22, $0x3;
	s25 =	sshrl.u32 s24, $0x3;
	[dreg:$0xb] =	wrdreg s19  }
0x15: {  	s26 =	sor.u32 $0x2000, s5;
	s5 =	simm.s32 $0x11;
	[dreg:$0xc] =	wrdreg s21  }
0x16: {  	s7 =	simm.s32 $0x12;
	s10 =	simm.s32 $0xB;
	[dreg:$0xd] =	wrdreg s23  }
0x17: {  	s12 =	simm.s32 $0x14;
	s2 =	sor.u32 $0x1400, s2;
	[dreg:$0xe] =	wrdreg s25  }
0x18: {  	s14 =	simm.s32 $0xC;
	s1 =	sadd.s32 $0xA00, s1;
	[dreg:$0x3] =	wrdreg s2  }
0x19: {  	s16 =	simm.s32 $0x15;
	s29 =	sshrl.u32 s26, $0x3;
	[dreg:$0x10] =	wrdreg s1  }
0x1a: {  	s18 =	simm.s32 $0xD;
	s2 =	sshrl.u32 s31, $0x3;
	[dreg:$0xf] =	wrdreg s29  }
0x1b: {  	s8 =	simm.s32 $0x80;
	s31 =	smax.u32 s28, $0x1;
	[dreg:$0x5] =	wrdreg s2  }
0x1c: {  	s11 =	simm.s32 $0x0;
	[dreg:$0x11] =	wrdreg s31;
	s2 =	simm.s32 $0xA  }
.LBB2_1:
0x1d: {  	[dreg:$0x12] =	wrdreg s11  }
0x1e: {  	s0 =	rddreg [dreg:$0x10];
	s20 =	simm.s32 $0x1B  }
0x1f: {  	[tilespmem:s3], [sflag:$0x1B] =	stream.linear.gather [hbm4b:s0+s3], $0x3400, $0x38;
	[tilespmem:$0x1D400] =	vst v63  }
0x20: {  	_ =	swait.ge [sflag:s20], $0x3400  }
0x21: {  	[sflag:s20] =	ssyncset.done $0x0  }
0x22: {  	s21 =	simm.s32 $0x3400;
	[sflag:s20] =	ssyncadd.s32 $0xFFFFCC00  }
0x23: {  	[tilespmem:s21], [sflag:$0x1] =	stream.indirect.gather [hbm4b:s4+s8], $0x40, s3, s8, $0xb8;
	[tilespmem:$0x1D400] =	vst v63  }
0x24: {  	s22 =	simm.s32 $0x5400  }
0x25: {  	[tilespmem:s22], [sflag:$0x2] =	stream.indirect.gather [hbm4b:s4+s8], $0x40, s8, s8, $0xb8;
	[tilespmem:$0x1D400] =	vst v63  }
0x26: {  	s26 =	simm.s32 $0x100;
	s23 =	simm.s32 $0x7400  }
0x27: {  	[tilespmem:s23], [sflag:$0x3] =	stream.indirect.gather [hbm4b:s4+s8], $0x40, s26, s8, $0xb8;
	[tilespmem:$0x1D400] =	vst v63  }
0x28: {  	s28 =	simm.s32 $0x180;
	s24 =	simm.s32 $0x9400  }
0x29: {  	[tilespmem:s24], [sflag:$0x4] =	stream.indirect.gather [hbm4b:s4+s8], $0x40, s28, s8, $0xb8;
	[tilespmem:$0x1D400] =	vst v63  }
0x2a: {  	s29 =	simm.s32 $0x200;
	s25 =	simm.s32 $0xB400  }
0x2b: {  	[tilespmem:s25], [sflag:$0x5] =	stream.indirect.gather [hbm4b:s4+s8], $0x40, s29, s8, $0xb8;
	[tilespmem:$0x1D400] =	vst v63  }
0x2c: {  	s31 =	simm.s32 $0x280;
	p0 =	por $0x1, $0x1;
	s26 =	simm.s32 $0xD400  }
0x2d: {  	[tilespmem:s26], [sflag:$0x6] =	stream.indirect.gather [hbm4b:s4+s8], $0x40, s31, s8, $0xb8;
	[tilespmem:$0x1D400] =	vst v63  }
0x2e: {  	s1 =	simm.s32 $0x300;
	p0 =	por p0, p0;
	s28 =	simm.s32 $0xF400  }
0x2f: {  	[tilespmem:s28], [sflag:$0x7] =	stream.indirect.gather [hbm4b:s4+s8], $0x40, s1, s8, $0xb8;
	[tilespmem:$0x1D400] =	vst v63  }
0x30: {  	s13 =	simm.s32 $0x380;
	s29 =	simm.s32 $0x11400;
	s1 =	simm.s32 @!p0 $0x16  }
0x31: {  	[tilespmem:s29], [sflag:$0x8] =	stream.indirect.gather [hbm4b:s4+s8], $0x40, s13, s8, $0xb8;
	[tilespmem:$0x1D400] =	vst v63  }
0x32: {  	_ =	swait.ge @!p0 [sflag:s1], $0x2000  }
0x33: {  	s15 =	simm.s32 $0x400;
	[sflag:s1] =	ssyncset.done @!p0 $0x0  }
0x34: {  	s17 =	simm.s32 $0x1;
	s13 =	simm.s32 $0x13400;
	[sflag:s1] =	ssyncadd.s32 @!p0 $0xFFFFE000  }
0x35: {  	[tilespmem:s13], [sflag:$0x9] =	stream.indirect.gather [hbm4b:s4+s8], $0x40, s15, s8, $0xb8;
	[tilespmem:$0x1D400] =	vst v63  }
0x36: {  	_ =	swait.ge [sflag:s17], $0x2000  }
0x37: {  	[sflag:s17] =	ssyncset.done $0x0  }
0x38: {  	s19 =	rddreg [dreg:$0x4];
	[sflag:s17] =	ssyncadd.s32 $0xFFFFE000  }
0x39: {  	s0 =	rddreg [dreg:$0x1]  }
0x3a: {  	s20 =	simm.s32 @!p0 $0x17;
	s1 =	sadd.s32 s0, s19  }
0x3b: {  	[hbm4b:s1+s3] =	stream.linear.scatter [tilespmem:s21], [sflag:$0xE], $0x2000, $0x38;
	[tilespmem:$0x1D400] =	vst v63  }
0x3c: {  	_ =	swait.ge @!p0 [sflag:s20], $0x2000  }
0x3d: {  	s11 =	simm.s32 $0x15400;
	[sflag:s20] =	ssyncset.done @!p0 $0x0  }
0x3e: {  	s15 =	simm.s32 $0x2;
	[sflag:s20] =	ssyncadd.s32 @!p0 $0xFFFFE000;
	s20 =	simm.s32 $0x480  }
0x3f: {  	[tilespmem:s11], [sflag:$0xA] =	stream.indirect.gather [hbm4b:s4+s8], $0x40, s20, s8, $0xb8;
	[tilespmem:$0x1D400] =	vst v63  }
0x40: {  	_ =	swait.ge [sflag:s15], $0x2000  }
0x41: {  	s21 =	rddreg [dreg:$0xf];
	[sflag:s15] =	ssyncset.done $0x0  }
0x42: {  	s20 =	simm.s32 @!p0 $0x18;
	[sflag:s15] =	ssyncadd.s32 $0xFFFFE000;
	s1 =	sadd.s32 s0, s21  }
0x43: {  	[hbm4b:s1+s3] =	stream.linear.scatter [tilespmem:s22], [sflag:$0xF], $0x2000, $0x38;
	[tilespmem:$0x1D400] =	vst v63  }
0x44: {  	_ =	swait.ge @!p0 [sflag:s20], $0x2000  }
0x45: {  	s17 =	simm.s32 $0x3;
	[sflag:s20] =	ssyncset.done @!p0 $0x0  }
0x46: {  	s15 =	simm.s32 $0x17400;
	s22 =	simm.s32 $0x500;
	[sflag:s20] =	ssyncadd.s32 @!p0 $0xFFFFE000  }
0x47: {  	[tilespmem:s15], [sflag:$0xB] =	stream.indirect.gather [hbm4b:s4+s8], $0x40, s22, s8, $0xb8;
	[tilespmem:$0x1D400] =	vst v63  }
0x48: {  	_ =	swait.ge [sflag:s17], $0x2000  }
0x49: {  	s31 =	rddreg [dreg:$0xe];
	[sflag:s17] =	ssyncset.done $0x0  }
0x4a: {  	s20 =	simm.s32 @!p0 $0x19;
	[sflag:s17] =	ssyncadd.s32 $0xFFFFE000;
	s1 =	sadd.s32 s0, s31  }
0x4b: {  	[hbm4b:s1+s3] =	stream.linear.scatter [tilespmem:s23], [sflag:$0x10], $0x2000, $0x38;
	[tilespmem:$0x1D400] =	vst v63  }
0x4c: {  	_ =	swait.ge @!p0 [sflag:s20], $0x2000  }
0x4d: {  	[sflag:s20] =	ssyncset.done @!p0 $0x0  }
0x4e: {  	s19 =	simm.s32 $0x580;
	s17 =	simm.s32 $0x19400;
	[sflag:s20] =	ssyncadd.s32 @!p0 $0xFFFFE000  }
0x4f: {  	[tilespmem:s17], [sflag:$0xC] =	stream.indirect.gather [hbm4b:s4+s8], $0x40, s19, s8, $0xb8;
	[tilespmem:$0x1D400] =	vst v63  }
0x50: {  	s19 =	simm.s32 $0x4  }
0x51: {  	_ =	swait.ge [sflag:s19], $0x2000  }
0x52: {  	s20 =	rddreg [dreg:$0xd];
	[sflag:s19] =	ssyncset.done $0x0  }
0x53: {  	[sflag:s19] =	ssyncadd.s32 $0xFFFFE000;
	s1 =	sadd.s32 s0, s20;
	s20 =	simm.s32 @!p0 $0x1A  }
0x54: {  	[hbm4b:s1+s3] =	stream.linear.scatter [tilespmem:s24], [sflag:$0x11], $0x2000, $0x38;
	[tilespmem:$0x1D400] =	vst v63  }
0x55: {  	_ =	swait.ge @!p0 [sflag:s20], $0x2000  }
0x56: {  	[sflag:s20] =	ssyncset.done @!p0 $0x0  }
0x57: {  	s21 =	simm.s32 $0x600;
	s22 =	simm.s32 $0x5;
	[sflag:s20] =	ssyncadd.s32 @!p0 $0xFFFFE000  }
0x58: {  	[tilespmem:s30], [sflag:$0xD] =	stream.indirect.gather [hbm4b:s4+s8], $0x40, s21, s8, $0xb8;
	[tilespmem:$0x1D400] =	vst v63  }
0x59: {  	_ =	swait.ge [sflag:s22], $0x2000  }
0x5a: {  	s23 =	rddreg [dreg:$0xc];
	[sflag:s22] =	ssyncset.done $0x0  }
0x5b: {  	s24 =	simm.s32 $0xE;
	[sflag:s22] =	ssyncadd.s32 $0xFFFFE000;
	s1 =	sadd.s32 s0, s23  }
0x5c: {  	[hbm4b:s1+s3] =	stream.linear.scatter [tilespmem:s25], [sflag:$0x12], $0x2000, $0x38;
	[tilespmem:$0x1D400] =	vst v63  }
0x5d: {  	p0 =	por $0x0, $0x0;
	_ =	swait.ge [sflag:s24], $0x2000  }
0x5e: {  	s20 =	simm.s32 @!p0 $0x3400;
	s22 =	simm.s32 @!p0 $0x680;
	[sflag:s24] =	ssyncset.done $0x0  }
0x5f: {  	s1 =	simm.s32 @!p0 $0x80;
	s25 =	simm.s32 $0x6;
	[sflag:s24] =	ssyncadd.s32 $0xFFFFE000  }
0x60: {  	[tilespmem:s20], [sflag:$0x1] =	stream.indirect.gather @!p0 [hbm4b:s4+s1], $0x40, s22, s1, $0xb8;
	[tilespmem:$0x1D400] =	vst v63  }
0x61: {  	_ =	swait.ge [sflag:s25], $0x2000  }
0x62: {  	s30 =	rddreg [dreg:$0x3];
	[sflag:s25] =	ssyncset.done $0x0  }
0x63: {  	s31 =	simm.s32 $0xF;
	[sflag:s25] =	ssyncadd.s32 $0xFFFFE000;
	s20 =	sadd.s32 s0, s30  }
0x64: {  	[hbm4b:s20+s3] =	stream.linear.scatter [tilespmem:s26], [sflag:$0x13], $0x2000, $0x38;
	[tilespmem:$0x1D400] =	vst v63  }
0x65: {  	_ =	swait.ge [sflag:s31], $0x2000  }
0x66: {  	s21 =	simm.s32 $0x7;
	[sflag:s31] =	ssyncset.done $0x0  }
0x67: {  	s22 =	simm.s32 @!p0 $0x5400;
	s20 =	simm.s32 @!p0 $0x700;
	[sflag:s31] =	ssyncadd.s32 $0xFFFFE000  }
0x68: {  	[tilespmem:s22], [sflag:$0x2] =	stream.indirect.gather @!p0 [hbm4b:s4+s1], $0x40, s20, s1, $0xb8;
	[tilespmem:$0x1D400] =	vst v63  }
0x69: {  	_ =	swait.ge [sflag:s21], $0x2000  }
0x6a: {  	s22 =	rddreg [dreg:$0xb];
	[sflag:s21] =	ssyncset.done $0x0  }
0x6b: {  	s23 =	simm.s32 $0x10;
	[sflag:s21] =	ssyncadd.s32 $0xFFFFE000;
	s20 =	sadd.s32 s0, s22  }
0x6c: {  	[hbm4b:s20+s3] =	stream.linear.scatter [tilespmem:s28], [sflag:$0x14], $0x2000, $0x38;
	[tilespmem:$0x1D400] =	vst v63  }
0x6d: {  	_ =	swait.ge [sflag:s23], $0x2000  }
0x6e: {  	s24 =	simm.s32 $0x8;
	[sflag:s23] =	ssyncset.done $0x0  }
0x6f: {  	s22 =	simm.s32 @!p0 $0x7400;
	s20 =	simm.s32 @!p0 $0x780;
	[sflag:s23] =	ssyncadd.s32 $0xFFFFE000  }
0x70: {  	[tilespmem:s22], [sflag:$0x3] =	stream.indirect.gather @!p0 [hbm4b:s4+s1], $0x40, s20, s1, $0xb8;
	[tilespmem:$0x1D400] =	vst v63  }
0x71: {  	_ =	swait.ge [sflag:s24], $0x2000  }
0x72: {  	s25 =	rddreg [dreg:$0xa];
	[sflag:s24] =	ssyncset.done $0x0  }
0x73: {  	[sflag:s24] =	ssyncadd.s32 $0xFFFFE000;
	s20 =	sadd.s32 s0, s25  }
0x74: {  	[hbm4b:s20+s3] =	stream.linear.scatter [tilespmem:s29], [sflag:$0x15], $0x2000, $0x38;
	[tilespmem:$0x1D400] =	vst v63  }
0x75: {  	_ =	swait.ge [sflag:s5], $0x2000  }
0x76: {  	[sflag:s5] =	ssyncset.done $0x0  }
0x77: {  	s22 =	simm.s32 @!p0 $0x9400;
	s20 =	simm.s32 @!p0 $0x800;
	[sflag:s5] =	ssyncadd.s32 $0xFFFFE000  }
0x78: {  	[tilespmem:s22], [sflag:$0x4] =	stream.indirect.gather @!p0 [hbm4b:s4+s1], $0x40, s20, s1, $0xb8;
	[tilespmem:$0x1D400] =	vst v63  }
0x79: {  	_ =	swait.ge [sflag:s6], $0x2000  }
0x7a: {  	s26 =	rddreg [dreg:$0x9];
	[sflag:s6] =	ssyncset.done $0x0  }
0x7b: {  	[sflag:s6] =	ssyncadd.s32 $0xFFFFE000;
	s20 =	sadd.s32 s0, s26  }
0x7c: {  	[hbm4b:s20+s3] =	stream.linear.scatter [tilespmem:s13], [sflag:$0x16], $0x2000, $0x38;
	[tilespmem:$0x1D400] =	vst v63  }
0x7d: {  	_ =	swait.ge [sflag:s7], $0x2000  }
0x7e: {  	[sflag:s7] =	ssyncset.done $0x0  }
0x7f: {  	s22 =	simm.s32 @!p0 $0xB400;
	s20 =	simm.s32 @!p0 $0x880;
	[sflag:s7] =	ssyncadd.s32 $0xFFFFE000  }
0x80: {  	[tilespmem:s22], [sflag:$0x5] =	stream.indirect.gather @!p0 [hbm4b:s4+s1], $0x40, s20, s1, $0xb8;
	[tilespmem:$0x1D400] =	vst v63  }
0x81: {  	_ =	swait.ge [sflag:s2], $0x2000  }
0x82: {  	s28 =	rddreg [dreg:$0x8];
	[sflag:s2] =	ssyncset.done $0x0  }
0x83: {  	[sflag:s2] =	ssyncadd.s32 $0xFFFFE000;
	s20 =	sadd.s32 s0, s28  }
0x84: {  	[hbm4b:s20+s3] =	stream.linear.scatter [tilespmem:s11], [sflag:$0x17], $0x2000, $0x38;
	[tilespmem:$0x1D400] =	vst v63  }
0x85: {  	_ =	swait.ge [sflag:s9], $0x2000  }
0x86: {  	[sflag:s9] =	ssyncset.done $0x0  }
0x87: {  	s22 =	simm.s32 @!p0 $0xD400;
	s20 =	simm.s32 @!p0 $0x900;
	[sflag:s9] =	ssyncadd.s32 $0xFFFFE000  }
0x88: {  	[tilespmem:s22], [sflag:$0x6] =	stream.indirect.gather @!p0 [hbm4b:s4+s1], $0x40, s20, s1, $0xb8;
	[tilespmem:$0x1D400] =	vst v63  }
0x89: {  	_ =	swait.ge [sflag:s10], $0x2000  }
0x8a: {  	s29 =	rddreg [dreg:$0x7];
	[sflag:s10] =	ssyncset.done $0x0  }
0x8b: {  	[sflag:s10] =	ssyncadd.s32 $0xFFFFE000;
	s20 =	sadd.s32 s0, s29  }
0x8c: {  	[hbm4b:s20+s3] =	stream.linear.scatter [tilespmem:s15], [sflag:$0x18], $0x2000, $0x38;
	[tilespmem:$0x1D400] =	vst v63  }
0x8d: {  	_ =	swait.ge [sflag:s12], $0x2000  }
0x8e: {  	[sflag:s12] =	ssyncset.done $0x0  }
0x8f: {  	s22 =	simm.s32 @!p0 $0xF400;
	s20 =	simm.s32 @!p0 $0x980;
	[sflag:s12] =	ssyncadd.s32 $0xFFFFE000  }
0x90: {  	[tilespmem:s22], [sflag:$0x7] =	stream.indirect.gather @!p0 [hbm4b:s4+s1], $0x40, s20, s1, $0xb8;
	[tilespmem:$0x1D400] =	vst v63  }
0x91: {  	_ =	swait.ge [sflag:s14], $0x2000  }
0x92: {  	s30 =	rddreg [dreg:$0x6];
	[sflag:s14] =	ssyncset.done $0x0  }
0x93: {  	[sflag:s14] =	ssyncadd.s32 $0xFFFFE000;
	s20 =	sadd.s32 s0, s30  }
0x94: {  	[hbm4b:s20+s3] =	stream.linear.scatter [tilespmem:s17], [sflag:$0x19], $0x2000, $0x38;
	[tilespmem:$0x1D400] =	vst v63  }
0x95: {  	_ =	swait.ge [sflag:s16], $0x2000  }
0x96: {  	p6 =	por $0x0, $0x0;
	[sflag:s16] =	ssyncset.done $0x0  }
0x97: {  	s22 =	simm.s32 @!p0 $0x11400;
	s20 =	simm.s32 @!p0 $0xA00;
	[sflag:s16] =	ssyncadd.s32 $0xFFFFE000  }
0x98: {  	[tilespmem:s22], [sflag:$0x8] =	stream.indirect.gather @!p0 [hbm4b:s4+s1], $0x40, s20, s1, $0xb8;
	[tilespmem:$0x1D400] =	vst v63  }
0x99: {  	s23 =	simm.s32 $0x3400;
	s22 =	simm.s32 $0x1A00;
	_ =	swait.ge [sflag:s18], $0x2000  }
0x9a: {  	p0 =	por p6, p6;
	s31 =	rddreg [dreg:$0x5];
	[sflag:s18] =	ssyncset.done $0x0  }
0x9b: {  	s20 =	sadd.s32 $0x3400, s0;
	[sflag:s18] =	ssyncadd.s32 $0xFFFFE000;
	s1 =	sadd.s32 s0, s31  }
.LBB2_2:
0x9c: {  	s11 =	simm.s32 $0x1B400;
	s24 =	simm.s32 @!p0 $0x16  }
0x9d: {  	[hbm4b:s1+s3] =	stream.linear.scatter [tilespmem:s11], [sflag:$0x1A], $0x2000, $0x38;
	[tilespmem:$0x1D400] =	vst v63  }
0x9e: {  	_ =	swait.ge @!p0 [sflag:s24], $0x2000  }
0x9f: {  	s13 =	simm.s32 $0x13400;
	s1 =	sshra.s32 s22, $0x2;
	[sflag:s24] =	ssyncset.done @!p0 $0x0  }
0xa0: {  	s0 =	simm.s32 $0x1;
	s15 =	sadd.s32 $0x400, s1;
	[sflag:s24] =	ssyncadd.s32 @!p0 $0xFFFFE000  }
0xa1: {  	[tilespmem:s13], [sflag:$0x9] =	stream.indirect.gather [hbm4b:s4+s8], $0x40, s15, s8, $0xb8;
	[tilespmem:$0x1D400] =	vst v63  }
0xa2: {  	_ =	swait.ge [sflag:s0], $0x2000  }
0xa3: {  	s25 =	simm.s32 @!p0 $0x17;
	s17 =	rddreg [dreg:$0x4];
	[sflag:s0] =	ssyncset.done $0x0  }
0xa4: {  	s19 =	simm.s32 $0x3400;
	[sflag:s0] =	ssyncadd.s32 $0xFFFFE000;
	s24 =	sadd.s32 s20, s17  }
0xa5: {  	[hbm4b:s24+s3] =	stream.linear.scatter [tilespmem:s19], [sflag:$0xE], $0x2000, $0x38;
	[tilespmem:$0x1D400] =	vst v63  }
0xa6: {  	_ =	swait.ge @!p0 [sflag:s25], $0x2000  }
0xa7: {  	s21 =	sadd.s32 $0x480, s1;
	[sflag:s25] =	ssyncset.done @!p0 $0x0  }
0xa8: {  	s15 =	simm.s32 $0x15400;
	s24 =	simm.s32 $0x2;
	[sflag:s25] =	ssyncadd.s32 @!p0 $0xFFFFE000  }
0xa9: {  	[tilespmem:s15], [sflag:$0xA] =	stream.indirect.gather [hbm4b:s4+s8], $0x40, s21, s8, $0xb8;
	[tilespmem:$0x1D400] =	vst v63  }
0xaa: {  	_ =	swait.ge [sflag:s24], $0x2000  }
0xab: {  	s26 =	simm.s32 $0x5400;
	s25 =	rddreg [dreg:$0xf];
	[sflag:s24] =	ssyncset.done $0x0  }
0xac: {  	[sflag:s24] =	ssyncadd.s32 $0xFFFFE000;
	s24 =	sadd.s32 s20, s25;
	s25 =	simm.s32 @!p0 $0x18  }
0xad: {  	[hbm4b:s24+s3] =	stream.linear.scatter [tilespmem:s26], [sflag:$0xF], $0x2000, $0x38;
	[tilespmem:$0x1D400] =	vst v63  }
0xae: {  	_ =	swait.ge @!p0 [sflag:s25], $0x2000  }
0xaf: {  	s30 =	simm.s32 $0x3;
	[sflag:s25] =	ssyncset.done @!p0 $0x0  }
0xb0: {  	s29 =	sadd.s32 $0x500, s1;
	s17 =	simm.s32 $0x17400;
	[sflag:s25] =	ssyncadd.s32 @!p0 $0xFFFFE000  }
0xb1: {  	[tilespmem:s17], [sflag:$0xB] =	stream.indirect.gather [hbm4b:s4+s8], $0x40, s29, s8, $0xb8;
	[tilespmem:$0x1D400] =	vst v63  }
0xb2: {  	_ =	swait.ge [sflag:s30], $0x2000  }
0xb3: {  	s19 =	simm.s32 $0x7400;
	s31 =	rddreg [dreg:$0xe];
	[sflag:s30] =	ssyncset.done $0x0  }
0xb4: {  	s25 =	simm.s32 @!p0 $0x19;
	[sflag:s30] =	ssyncadd.s32 $0xFFFFE000;
	s24 =	sadd.s32 s20, s31  }
0xb5: {  	[hbm4b:s24+s3] =	stream.linear.scatter [tilespmem:s19], [sflag:$0x10], $0x2000, $0x38;
	[tilespmem:$0x1D400] =	vst v63  }
0xb6: {  	_ =	swait.ge @!p0 [sflag:s25], $0x2000  }
0xb7: {  	s21 =	sadd.s32 $0x580, s1;
	[sflag:s25] =	ssyncset.done @!p0 $0x0  }
0xb8: {  	s19 =	simm.s32 $0x19400;
	s24 =	simm.s32 $0x4;
	[sflag:s25] =	ssyncadd.s32 @!p0 $0xFFFFE000  }
0xb9: {  	[tilespmem:s19], [sflag:$0xC] =	stream.indirect.gather [hbm4b:s4+s8], $0x40, s21, s8, $0xb8;
	[tilespmem:$0x1D400] =	vst v63  }
0xba: {  	_ =	swait.ge [sflag:s24], $0x2000  }
0xbb: {  	s26 =	simm.s32 $0x9400;
	s25 =	rddreg [dreg:$0xd];
	[sflag:s24] =	ssyncset.done $0x0  }
0xbc: {  	[sflag:s24] =	ssyncadd.s32 $0xFFFFE000;
	s24 =	sadd.s32 s20, s25;
	s25 =	simm.s32 @!p0 $0x1A  }
0xbd: {  	[hbm4b:s24+s3] =	stream.linear.scatter [tilespmem:s26], [sflag:$0x11], $0x2000, $0x38;
	[tilespmem:$0x1D400] =	vst v63  }
0xbe: {  	_ =	swait.ge @!p0 [sflag:s25], $0x2000  }
0xbf: {  	s28 =	smov.u32 s23;
	[sflag:s25] =	ssyncset.done @!p0 $0x0  }
0xc0: {  	s1 =	sadd.s32 $0x600, s1;
	s29 =	simm.s32 $0x5;
	[sflag:s25] =	ssyncadd.s32 @!p0 $0xFFFFE000  }
0xc1: {  	[tilespmem:s11], [sflag:$0xD] =	stream.indirect.gather [hbm4b:s4+s8], $0x40, s1, s8, $0xb8;
	[tilespmem:$0x1D400] =	vst v63  }
0xc2: {  	p2 =	seq.s32 s28, $0x0;
	s31 =	simm.s32 $0xB400;
	_ =	swait.ge [sflag:s29], $0x2000  }
0xc3: {  	s21 =	simm.s32 $0x6;
	s30 =	rddreg [dreg:$0xc];
	[sflag:s29] =	ssyncset.done $0x0  }
0xc4: {  	s11 =	simm.s32 $0xE;
	[sflag:s29] =	ssyncadd.s32 $0xFFFFE000;
	s1 =	sadd.s32 s20, s30  }
0xc5: {  	[hbm4b:s1+s3] =	stream.linear.scatter [tilespmem:s31], [sflag:$0x12], $0x2000, $0x38;
	[tilespmem:$0x1D400] =	vst v63  }
0xc6: {  	p0 =	por p2, p2;
	p2 =	seq.s32 s22, $0xB600;
	_ =	swait.ge [sflag:s11], $0x2000  }
0xc7: {  	s22 =	sshra.s32 @!p2 s22, $0x2;
	s25 =	simm.s32 @!p2 $0x80;
	[sflag:s11] =	ssyncset.done $0x0  }
0xc8: {  	s24 =	sadd.s32 @!p2 $0x680, s22;
	s1 =	simm.s32 @!p2 $0x3400;
	[sflag:s11] =	ssyncadd.s32 $0xFFFFE000  }
0xc9: {  	[tilespmem:s1], [sflag:$0x1] =	stream.indirect.gather @!p2 [hbm4b:s4+s25], $0x40, s24, s25, $0xb8;
	[tilespmem:$0x1D400] =	vst v63  }
0xca: {  	s0 =	sadd.s32 @!p2 $0x780, s22;
	_ =	swait.ge [sflag:s21], $0x2000  }
0xcb: {  	s26 =	sadd.s32 @!p2 $0x880, s22;
	s11 =	rddreg [dreg:$0x3];
	[sflag:s21] =	ssyncset.done $0x0  }
0xcc: {  	[sflag:s21] =	ssyncadd.s32 $0xFFFFE000;
	s11 =	sadd.s32 s20, s11;
	s21 =	simm.s32 $0xD400  }
0xcd: {  	[hbm4b:s11+s3] =	stream.linear.scatter [tilespmem:s21], [sflag:$0x13], $0x2000, $0x38;
	[tilespmem:$0x1D400] =	vst v63  }
0xce: {  	s29 =	sadd.s32 @!p2 $0x800, s22;
	s30 =	sadd.s32 @!p2 $0xA00, s22;
	s21 =	simm.s32 $0xF  }
0xcf: {  	s31 =	sadd.s32 @!p2 $0x700, s22;
	s24 =	sadd.s32 @!p2 $0x900, s22;
	_ =	swait.ge [sflag:s21], $0x2000  }
0xd0: {  	s1 =	sadd.s32 @!p2 $0x980, s22;
	s22 =	smov.u32 s28;
	[sflag:s21] =	ssyncset.done $0x0  }
0xd1: {  	s28 =	simm.s32 $0x7;
	s11 =	simm.s32 @!p2 $0x5400;
	[sflag:s21] =	ssyncadd.s32 $0xFFFFE000  }
0xd2: {  	[tilespmem:s11], [sflag:$0x2] =	stream.indirect.gather @!p2 [hbm4b:s4+s25], $0x40, s31, s25, $0xb8;
	[tilespmem:$0x1D400] =	vst v63  }
0xd3: {  	_ =	swait.ge [sflag:s28], $0x2000  }
0xd4: {  	s21 =	simm.s32 $0xF400;
	s31 =	rddreg [dreg:$0xb];
	[sflag:s28] =	ssyncset.done $0x0  }
0xd5: {  	[sflag:s28] =	ssyncadd.s32 $0xFFFFE000;
	s11 =	sadd.s32 s20, s31;
	s31 =	simm.s32 $0x10  }
0xd6: {  	[hbm4b:s11+s3] =	stream.linear.scatter [tilespmem:s21], [sflag:$0x14], $0x2000, $0x38;
	[tilespmem:$0x1D400] =	vst v63  }
0xd7: {  	_ =	swait.ge [sflag:s31], $0x2000  }
0xd8: {  	[sflag:s31] =	ssyncset.done $0x0  }
0xd9: {  	s11 =	simm.s32 @!p2 $0x7400;
	s21 =	simm.s32 $0x8;
	[sflag:s31] =	ssyncadd.s32 $0xFFFFE000  }
0xda: {  	[tilespmem:s11], [sflag:$0x3] =	stream.indirect.gather @!p2 [hbm4b:s4+s25], $0x40, s0, s25, $0xb8;
	[tilespmem:$0x1D400] =	vst v63  }
0xdb: {  	_ =	swait.ge [sflag:s21], $0x2000  }
0xdc: {  	s28 =	rddreg [dreg:$0xa];
	[sflag:s21] =	ssyncset.done $0x0  }
0xdd: {  	s31 =	simm.s32 $0x11400;
	[sflag:s21] =	ssyncadd.s32 $0xFFFFE000;
	s0 =	sadd.s32 s20, s28  }
0xde: {  	[hbm4b:s0+s3] =	stream.linear.scatter [tilespmem:s31], [sflag:$0x15], $0x2000, $0x38;
	[tilespmem:$0x1D400] =	vst v63  }
0xdf: {  	_ =	swait.ge [sflag:s5], $0x2000  }
0xe0: {  	[sflag:s5] =	ssyncset.done $0x0  }
0xe1: {  	s0 =	simm.s32 @!p2 $0x9400;
	[sflag:s5] =	ssyncadd.s32 $0xFFFFE000  }
0xe2: {  	[tilespmem:s0], [sflag:$0x4] =	stream.indirect.gather @!p2 [hbm4b:s4+s25], $0x40, s29, s25, $0xb8;
	[tilespmem:$0x1D400] =	vst v63  }
0xe3: {  	_ =	swait.ge [sflag:s6], $0x2000  }
0xe4: {  	s21 =	rddreg [dreg:$0x9];
	[sflag:s6] =	ssyncset.done $0x0  }
0xe5: {  	[sflag:s6] =	ssyncadd.s32 $0xFFFFE000;
	s0 =	sadd.s32 s20, s21  }
0xe6: {  	[hbm4b:s0+s3] =	stream.linear.scatter [tilespmem:s13], [sflag:$0x16], $0x2000, $0x38;
	[tilespmem:$0x1D400] =	vst v63  }
0xe7: {  	_ =	swait.ge [sflag:s7], $0x2000  }
0xe8: {  	[sflag:s7] =	ssyncset.done $0x0  }
0xe9: {  	s0 =	simm.s32 @!p2 $0xB400;
	[sflag:s7] =	ssyncadd.s32 $0xFFFFE000  }
0xea: {  	[tilespmem:s0], [sflag:$0x5] =	stream.indirect.gather @!p2 [hbm4b:s4+s25], $0x40, s26, s25, $0xb8;
	[tilespmem:$0x1D400] =	vst v63  }
0xeb: {  	_ =	swait.ge [sflag:s2], $0x2000  }
0xec: {  	s26 =	rddreg [dreg:$0x8];
	[sflag:s2] =	ssyncset.done $0x0  }
0xed: {  	[sflag:s2] =	ssyncadd.s32 $0xFFFFE000;
	s0 =	sadd.s32 s20, s26  }
0xee: {  	[hbm4b:s0+s3] =	stream.linear.scatter [tilespmem:s15], [sflag:$0x17], $0x2000, $0x38;
	[tilespmem:$0x1D400] =	vst v63  }
0xef: {  	_ =	swait.ge [sflag:s9], $0x2000  }
0xf0: {  	[sflag:s9] =	ssyncset.done $0x0  }
0xf1: {  	s0 =	simm.s32 @!p2 $0xD400;
	[sflag:s9] =	ssyncadd.s32 $0xFFFFE000  }
0xf2: {  	[tilespmem:s0], [sflag:$0x6] =	stream.indirect.gather @!p2 [hbm4b:s4+s25], $0x40, s24, s25, $0xb8;
	[tilespmem:$0x1D400] =	vst v63  }
0xf3: {  	_ =	swait.ge [sflag:s10], $0x2000  }
0xf4: {  	s28 =	rddreg [dreg:$0x7];
	[sflag:s10] =	ssyncset.done $0x0  }
0xf5: {  	[sflag:s10] =	ssyncadd.s32 $0xFFFFE000;
	s0 =	sadd.s32 s20, s28  }
0xf6: {  	[hbm4b:s0+s3] =	stream.linear.scatter [tilespmem:s17], [sflag:$0x18], $0x2000, $0x38;
	[tilespmem:$0x1D400] =	vst v63  }
0xf7: {  	_ =	swait.ge [sflag:s12], $0x2000  }
0xf8: {  	[sflag:s12] =	ssyncset.done $0x0  }
0xf9: {  	s0 =	simm.s32 @!p2 $0xF400;
	[sflag:s12] =	ssyncadd.s32 $0xFFFFE000  }
0xfa: {  	[tilespmem:s0], [sflag:$0x7] =	stream.indirect.gather @!p2 [hbm4b:s4+s25], $0x40, s1, s25, $0xb8;
	[tilespmem:$0x1D400] =	vst v63  }
0xfb: {  	_ =	swait.ge [sflag:s14], $0x2000  }
0xfc: {  	s29 =	rddreg [dreg:$0x6];
	[sflag:s14] =	ssyncset.done $0x0  }
0xfd: {  	[sflag:s14] =	ssyncadd.s32 $0xFFFFE000;
	s0 =	sadd.s32 s20, s29  }
0xfe: {  	[hbm4b:s0+s3] =	stream.linear.scatter [tilespmem:s19], [sflag:$0x19], $0x2000, $0x38;
	[tilespmem:$0x1D400] =	vst v63  }
0xff: {  	s23 =	sadd.s32 $0x1A00, s23;
	_ =	swait.ge [sflag:s16], $0x2000  }
0x100: {  	p1 =	sne.s32 s23, $0xD000;
	[sflag:s16] =	ssyncset.done $0x0  }
.Ltmp0:
0x101: {  	s0 =	simm.s32 @!p2 $0x11400;
	[sflag:s16] =	ssyncadd.s32 $0xFFFFE000;
	(pc) =	sbr.rel @p1 .LBB2_2-.Ltmp0, $4  }
0x102: {  	[tilespmem:s0], [sflag:$0x8] =	stream.indirect.gather @!p2 [hbm4b:s4+s25], $0x40, s30, s25, $0xb8;
	[tilespmem:$0x1D400] =	vst v63  }
0x103: {  	_ =	swait.ge [sflag:s18], $0x2000  }
0x104: {  	[sflag:s18] =	ssyncset.done $0x0;
	s31 =	rddreg [dreg:$0x5]  }
0x105: {  	[sflag:s18] =	ssyncadd.s32 $0xFFFFE000;
	s1 =	sadd.s32 s20, s31;
	s20 =	sadd.s32 $0x3400, s20  }
0x106: {  	s24 =	simm.s32 $0x1B400;
	s0 =	simm.s32 @!p0 $0x16  }
0x107: {  	[hbm4b:s1+s3] =	stream.linear.scatter [tilespmem:s24], [sflag:$0x1A], $0x2000, $0x38;
	[tilespmem:$0x1D400] =	vst v63  }
0x108: {  	_ =	swait.ge @!p0 [sflag:s0], $0x2000  }
0x109: {  	s13 =	simm.s32 $0x13400;
	s1 =	sshra.s32 s22, $0x2;
	[sflag:s0] =	ssyncset.done @!p0 $0x0  }
0x10a: {  	s11 =	simm.s32 $0x1;
	s25 =	sadd.s32 $0x400, s1;
	[sflag:s0] =	ssyncadd.s32 @!p0 $0xFFFFE000  }
0x10b: {  	[tilespmem:s13], [sflag:$0x9] =	stream.indirect.gather [hbm4b:s4+s8], $0x40, s25, s8, $0xb8;
	[tilespmem:$0x1D400] =	vst v63  }
0x10c: {  	_ =	swait.ge [sflag:s11], $0x2000  }
0x10d: {  	s23 =	simm.s32 $0x3400;
	s26 =	rddreg [dreg:$0x4];
	[sflag:s11] =	ssyncset.done $0x0  }
0x10e: {  	[sflag:s11] =	ssyncadd.s32 $0xFFFFE000;
	s0 =	sadd.s32 s20, s26;
	s11 =	simm.s32 @!p0 $0x17  }
0x10f: {  	[hbm4b:s0+s3] =	stream.linear.scatter [tilespmem:s23], [sflag:$0xE], $0x2000, $0x38;
	[tilespmem:$0x1D400] =	vst v63  }
0x110: {  	_ =	swait.ge @!p0 [sflag:s11], $0x2000  }
0x111: {  	s15 =	simm.s32 $0x15400;
	[sflag:s11] =	ssyncset.done @!p0 $0x0  }
0x112: {  	s29 =	simm.s32 $0x2;
	s28 =	sadd.s32 $0x480, s1;
	[sflag:s11] =	ssyncadd.s32 @!p0 $0xFFFFE000  }
0x113: {  	[tilespmem:s15], [sflag:$0xA] =	stream.indirect.gather [hbm4b:s4+s8], $0x40, s28, s8, $0xb8;
	[tilespmem:$0x1D400] =	vst v63  }
0x114: {  	_ =	swait.ge [sflag:s29], $0x2000  }
0x115: {  	s17 =	simm.s32 $0x5400;
	s31 =	rddreg [dreg:$0xf];
	[sflag:s29] =	ssyncset.done $0x0  }
0x116: {  	s11 =	simm.s32 @!p0 $0x18;
	[sflag:s29] =	ssyncadd.s32 $0xFFFFE000;
	s0 =	sadd.s32 s20, s31  }
0x117: {  	[hbm4b:s0+s3] =	stream.linear.scatter [tilespmem:s17], [sflag:$0xF], $0x2000, $0x38;
	[tilespmem:$0x1D400] =	vst v63  }
0x118: {  	_ =	swait.ge @!p0 [sflag:s11], $0x2000  }
0x119: {  	s21 =	simm.s32 $0x3;
	[sflag:s11] =	ssyncset.done @!p0 $0x0  }
0x11a: {  	s19 =	sadd.s32 $0x500, s1;
	s17 =	simm.s32 $0x17400;
	[sflag:s11] =	ssyncadd.s32 @!p0 $0xFFFFE000  }
0x11b: {  	[tilespmem:s17], [sflag:$0xB] =	stream.indirect.gather [hbm4b:s4+s8], $0x40, s19, s8, $0xb8;
	[tilespmem:$0x1D400] =	vst v63  }
0x11c: {  	_ =	swait.ge [sflag:s21], $0x2000  }
0x11d: {  	s25 =	simm.s32 $0x7400;
	s23 =	rddreg [dreg:$0xe];
	[sflag:s21] =	ssyncset.done $0x0  }
0x11e: {  	s11 =	simm.s32 @!p0 $0x19;
	[sflag:s21] =	ssyncadd.s32 $0xFFFFE000;
	s0 =	sadd.s32 s20, s23  }
0x11f: {  	[hbm4b:s0+s3] =	stream.linear.scatter [tilespmem:s25], [sflag:$0x10], $0x2000, $0x38;
	[tilespmem:$0x1D400] =	vst v63  }
0x120: {  	_ =	swait.ge @!p0 [sflag:s11], $0x2000  }
0x121: {  	s26 =	sadd.s32 $0x580, s1;
	[sflag:s11] =	ssyncset.done @!p0 $0x0  }
0x122: {  	s28 =	simm.s32 $0x4;
	s19 =	simm.s32 $0x19400;
	[sflag:s11] =	ssyncadd.s32 @!p0 $0xFFFFE000  }
0x123: {  	[tilespmem:s19], [sflag:$0xC] =	stream.indirect.gather [hbm4b:s4+s8], $0x40, s26, s8, $0xb8;
	[tilespmem:$0x1D400] =	vst v63  }
0x124: {  	_ =	swait.ge [sflag:s28], $0x2000  }
0x125: {  	s31 =	simm.s32 $0x9400;
	s29 =	rddreg [dreg:$0xd];
	[sflag:s28] =	ssyncset.done $0x0  }
0x126: {  	s11 =	simm.s32 @!p0 $0x1A;
	[sflag:s28] =	ssyncadd.s32 $0xFFFFE000;
	s0 =	sadd.s32 s20, s29  }
0x127: {  	[hbm4b:s0+s3] =	stream.linear.scatter [tilespmem:s31], [sflag:$0x11], $0x2000, $0x38;
	[tilespmem:$0x1D400] =	vst v63  }
0x128: {  	_ =	swait.ge @!p0 [sflag:s11], $0x2000  }
0x129: {  	[sflag:s11] =	ssyncset.done @!p0 $0x0  }
0x12a: {  	s1 =	sadd.s32 $0x600, s1;
	[sflag:s11] =	ssyncadd.s32 @!p0 $0xFFFFE000;
	s11 =	simm.s32 $0x5  }
0x12b: {  	[tilespmem:s24], [sflag:$0xD] =	stream.indirect.gather [hbm4b:s4+s8], $0x40, s1, s8, $0xb8;
	[tilespmem:$0x1D400] =	vst v63  }
0x12c: {  	_ =	swait.ge [sflag:s11], $0x2000  }
0x12d: {  	s23 =	simm.s32 $0xB400;
	s21 =	rddreg [dreg:$0xc];
	[sflag:s11] =	ssyncset.done $0x0  }
0x12e: {  	s25 =	simm.s32 $0xE;
	[sflag:s11] =	ssyncadd.s32 $0xFFFFE000;
	s0 =	sadd.s32 s20, s21  }
0x12f: {  	[hbm4b:s0+s3] =	stream.linear.scatter [tilespmem:s23], [sflag:$0x12], $0x2000, $0x38;
	[tilespmem:$0x1D400] =	vst v63  }
0x130: {  	s26 =	simm.s32 $0x6;
	p0 =	seq.s32 s22, $0xB600;
	_ =	swait.ge [sflag:s25], $0x2000  }
0x131: {  	s1 =	sshra.s32 @!p0 s22, $0x2;
	s22 =	simm.s32 @!p0 $0x80;
	[sflag:s25] =	ssyncset.done $0x0  }
0x132: {  	s11 =	sadd.s32 @!p0 $0x680, s1;
	s0 =	simm.s32 @!p0 $0x3400;
	[sflag:s25] =	ssyncadd.s32 $0xFFFFE000  }
0x133: {  	[tilespmem:s0], [sflag:$0x1] =	stream.indirect.gather @!p0 [hbm4b:s4+s22], $0x40, s11, s22, $0xb8;
	[tilespmem:$0x1D400] =	vst v63  }
0x134: {  	_ =	swait.ge [sflag:s26], $0x2000  }
0x135: {  	s29 =	simm.s32 $0xD400;
	s28 =	rddreg [dreg:$0x3];
	[sflag:s26] =	ssyncset.done $0x0  }
0x136: {  	s31 =	simm.s32 $0xF;
	[sflag:s26] =	ssyncadd.s32 $0xFFFFE000;
	s0 =	sadd.s32 s20, s28  }
0x137: {  	[hbm4b:s0+s3] =	stream.linear.scatter [tilespmem:s29], [sflag:$0x13], $0x2000, $0x38;
	[tilespmem:$0x1D400] =	vst v63  }
0x138: {  	_ =	swait.ge [sflag:s31], $0x2000  }
0x139: {  	s21 =	simm.s32 $0x7;
	[sflag:s31] =	ssyncset.done $0x0  }
0x13a: {  	s11 =	simm.s32 @!p0 $0x5400;
	s0 =	sadd.s32 @!p0 $0x700, s1;
	[sflag:s31] =	ssyncadd.s32 $0xFFFFE000  }
0x13b: {  	[tilespmem:s11], [sflag:$0x2] =	stream.indirect.gather @!p0 [hbm4b:s4+s22], $0x40, s0, s22, $0xb8;
	[tilespmem:$0x1D400] =	vst v63  }
0x13c: {  	_ =	swait.ge [sflag:s21], $0x2000  }
0x13d: {  	s25 =	simm.s32 $0xF400;
	s23 =	rddreg [dreg:$0xb];
	[sflag:s21] =	ssyncset.done $0x0  }
0x13e: {  	s26 =	simm.s32 $0x10;
	[sflag:s21] =	ssyncadd.s32 $0xFFFFE000;
	s0 =	sadd.s32 s20, s23  }
0x13f: {  	[hbm4b:s0+s3] =	stream.linear.scatter [tilespmem:s25], [sflag:$0x14], $0x2000, $0x38;
	[tilespmem:$0x1D400] =	vst v63  }
0x140: {  	_ =	swait.ge [sflag:s26], $0x2000  }
0x141: {  	s28 =	simm.s32 $0x8;
	[sflag:s26] =	ssyncset.done $0x0  }
0x142: {  	s11 =	simm.s32 @!p0 $0x7400;
	s0 =	sadd.s32 @!p0 $0x780, s1;
	[sflag:s26] =	ssyncadd.s32 $0xFFFFE000  }
0x143: {  	[tilespmem:s11], [sflag:$0x3] =	stream.indirect.gather @!p0 [hbm4b:s4+s22], $0x40, s0, s22, $0xb8;
	[tilespmem:$0x1D400] =	vst v63  }
0x144: {  	_ =	swait.ge [sflag:s28], $0x2000  }
0x145: {  	s29 =	rddreg [dreg:$0xa];
	[sflag:s28] =	ssyncset.done $0x0  }
0x146: {  	s31 =	simm.s32 $0x11400;
	[sflag:s28] =	ssyncadd.s32 $0xFFFFE000;
	s0 =	sadd.s32 s20, s29  }
0x147: {  	[hbm4b:s0+s3] =	stream.linear.scatter [tilespmem:s31], [sflag:$0x15], $0x2000, $0x38;
	[tilespmem:$0x1D400] =	vst v63  }
0x148: {  	_ =	swait.ge [sflag:s5], $0x2000  }
0x149: {  	[sflag:s5] =	ssyncset.done $0x0  }
0x14a: {  	s11 =	simm.s32 @!p0 $0x9400;
	s0 =	sadd.s32 @!p0 $0x800, s1;
	[sflag:s5] =	ssyncadd.s32 $0xFFFFE000  }
0x14b: {  	[tilespmem:s11], [sflag:$0x4] =	stream.indirect.gather @!p0 [hbm4b:s4+s22], $0x40, s0, s22, $0xb8;
	[tilespmem:$0x1D400] =	vst v63  }
0x14c: {  	_ =	swait.ge [sflag:s6], $0x2000  }
0x14d: {  	s11 =	rddreg [dreg:$0x9];
	[sflag:s6] =	ssyncset.done $0x0  }
0x14e: {  	[sflag:s6] =	ssyncadd.s32 $0xFFFFE000;
	s0 =	sadd.s32 s20, s11  }
0x14f: {  	[hbm4b:s0+s3] =	stream.linear.scatter [tilespmem:s13], [sflag:$0x16], $0x2000, $0x38;
	[tilespmem:$0x1D400] =	vst v63  }
0x150: {  	_ =	swait.ge [sflag:s7], $0x2000  }
0x151: {  	[sflag:s7] =	ssyncset.done $0x0  }
0x152: {  	s11 =	simm.s32 @!p0 $0xB400;
	s0 =	sadd.s32 @!p0 $0x880, s1;
	[sflag:s7] =	ssyncadd.s32 $0xFFFFE000  }
0x153: {  	[tilespmem:s11], [sflag:$0x5] =	stream.indirect.gather @!p0 [hbm4b:s4+s22], $0x40, s0, s22, $0xb8;
	[tilespmem:$0x1D400] =	vst v63  }
0x154: {  	_ =	swait.ge [sflag:s2], $0x2000  }
0x155: {  	s13 =	rddreg [dreg:$0x8];
	[sflag:s2] =	ssyncset.done $0x0  }
0x156: {  	[sflag:s2] =	ssyncadd.s32 $0xFFFFE000;
	s0 =	sadd.s32 s20, s13  }
0x157: {  	[hbm4b:s0+s3] =	stream.linear.scatter [tilespmem:s15], [sflag:$0x17], $0x2000, $0x38;
	[tilespmem:$0x1D400] =	vst v63  }
0x158: {  	_ =	swait.ge [sflag:s9], $0x2000  }
0x159: {  	[sflag:s9] =	ssyncset.done $0x0  }
0x15a: {  	s11 =	simm.s32 @!p0 $0xD400;
	s0 =	sadd.s32 @!p0 $0x900, s1;
	[sflag:s9] =	ssyncadd.s32 $0xFFFFE000  }
0x15b: {  	[tilespmem:s11], [sflag:$0x6] =	stream.indirect.gather @!p0 [hbm4b:s4+s22], $0x40, s0, s22, $0xb8;
	[tilespmem:$0x1D400] =	vst v63  }
0x15c: {  	_ =	swait.ge [sflag:s10], $0x2000  }
0x15d: {  	s15 =	rddreg [dreg:$0x7];
	[sflag:s10] =	ssyncset.done $0x0  }
0x15e: {  	[sflag:s10] =	ssyncadd.s32 $0xFFFFE000;
	s0 =	sadd.s32 s20, s15  }
0x15f: {  	[hbm4b:s0+s3] =	stream.linear.scatter [tilespmem:s17], [sflag:$0x18], $0x2000, $0x38;
	[tilespmem:$0x1D400] =	vst v63  }
0x160: {  	_ =	swait.ge [sflag:s12], $0x2000  }
0x161: {  	[sflag:s12] =	ssyncset.done $0x0  }
0x162: {  	s11 =	simm.s32 @!p0 $0xF400;
	s0 =	sadd.s32 @!p0 $0x980, s1;
	[sflag:s12] =	ssyncadd.s32 $0xFFFFE000  }
0x163: {  	[tilespmem:s11], [sflag:$0x7] =	stream.indirect.gather @!p0 [hbm4b:s4+s22], $0x40, s0, s22, $0xb8;
	[tilespmem:$0x1D400] =	vst v63  }
0x164: {  	_ =	swait.ge [sflag:s14], $0x2000  }
0x165: {  	s21 =	rddreg [dreg:$0x6];
	[sflag:s14] =	ssyncset.done $0x0  }
0x166: {  	[sflag:s14] =	ssyncadd.s32 $0xFFFFE000;
	s0 =	sadd.s32 s20, s21  }
0x167: {  	[hbm4b:s0+s3] =	stream.linear.scatter [tilespmem:s19], [sflag:$0x19], $0x2000, $0x38;
	[tilespmem:$0x1D400] =	vst v63  }
0x168: {  	_ =	swait.ge [sflag:s16], $0x2000  }
0x169: {  	[sflag:s16] =	ssyncset.done $0x0  }
0x16a: {  	s0 =	sadd.s32 @!p0 $0xA00, s1;
	s1 =	simm.s32 @!p0 $0x11400;
	[sflag:s16] =	ssyncadd.s32 $0xFFFFE000  }
0x16b: {  	[tilespmem:s1], [sflag:$0x8] =	stream.indirect.gather @!p0 [hbm4b:s4+s22], $0x40, s0, s22, $0xb8;
	[tilespmem:$0x1D400] =	vst v63  }
0x16c: {  	_ =	swait.ge [sflag:s18], $0x2000  }
0x16d: {  	s22 =	rddreg [dreg:$0x5];
	[sflag:s18] =	ssyncset.done $0x0  }
0x16e: {  	s23 =	simm.s32 $0x16;
	s0 =	sadd.s32 s20, s22;
	[sflag:s18] =	ssyncadd.s32 $0xFFFFE000  }
0x16f: {  	[hbm4b:s0+s3] =	stream.linear.scatter [tilespmem:s24], [sflag:$0x1A], $0x2000, $0x38;
	[tilespmem:$0x1D400] =	vst v63  }
0x170: {  	_ =	swait.ge [sflag:s23], $0x2000  }
0x171: {  	[sflag:s23] =	ssyncset.done $0x0  }
0x172: {  	s24 =	simm.s32 $0x17;
	[sflag:s23] =	ssyncadd.s32 $0xFFFFE000  }
0x173: {  	_ =	swait.ge [sflag:s24], $0x2000  }
0x174: {  	[sflag:s24] =	ssyncset.done $0x0  }
0x175: {  	s25 =	simm.s32 $0x18;
	[sflag:s24] =	ssyncadd.s32 $0xFFFFE000  }
0x176: {  	_ =	swait.ge [sflag:s25], $0x2000  }
0x177: {  	[sflag:s25] =	ssyncset.done $0x0  }
0x178: {  	s26 =	simm.s32 $0x19;
	[sflag:s25] =	ssyncadd.s32 $0xFFFFE000  }
0x179: {  	_ =	swait.ge [sflag:s26], $0x2000  }
0x17a: {  	[sflag:s26] =	ssyncset.done $0x0  }
0x17b: {  	s28 =	simm.s32 $0x1A;
	[sflag:s26] =	ssyncadd.s32 $0xFFFFE000  }
0x17c: {  	_ =	swait.ge [sflag:s28], $0x2000  }
0x17d: {  	s29 =	rddreg [dreg:$0x12]  }
0x17e: {  	s31 =	rddreg [dreg:$0x11];
	s11 =	sadd.s32 $0x1, s29  }
0x17f: {  	p0 =	sne.s32 s11, s31  }
.Ltmp1:
0x180: {  	_ = 	snop;
	(pc) =	sbr.rel @p0 .LBB2_1-.Ltmp1, $3  }
0x181: {  	_ =	sdelay $0x1  }
0x182: {  	[sflag:s28] =	ssyncset.done $0x0  }
0x183: {  	s30 =	simm.s32 $0x1B400;
	[sflag:s28] =	ssyncadd.s32 $0xFFFFE000  }
0x184: {  	_ =	sfence.sel $0x180000  }
0x185: {  	[bflag:$0x0] =	sbarrier.arrive $0xFFFF  }
0x186: {  	_ =	strace $0x90000047  }
0x187: {  	s0 =	stileid.u32;
	[bflag:$0x2] =	sbarrier.arrive $0xFFFF  }
0x188: {  	p0 =	sne.s32 s0, $0x0;
	s0 =	rddreg [dreg:$0x2]  }
0x189: {  	s0 =	sadd.s32 @!p0 $0x100000, s0  }
0x18a: {  	[sflag:s0] =	ssyncadd.tile.s32 @!p0 $0x1;
	_ =	shalt  }
.Lfunc_end2:
_tile_overlayer_lowered:
.L_overlay_start_2:
0x18b: {  	(tag) =	ssettag $0x2  }
0x18c: {  	s0 =	rddreg [dreg:$0x0];
	s2 =	stileid.u32  }
0x18d: {  	s1 =	rddreg [dreg:$0x1];
	p0 =	sne.s32 s2, $0x0  }
0x18e: {  	s3 =	rddreg [dreg:$0x2];
	[bflag:$0x3] =	sbarrier.arrive $0xFFFF;
	s2 =	simm.s32 @!p0 $0x1C1B  }
0x18f: {  	[timem:s3], [sflag:s2] =	dma.local @!p0 [hbm:s0], s1  }
0x190: {  	s0 =	simm.s32 @!p0 $0x1B  }
0x191: {  	_ =	swait.ge @!p0 [sflag:s0], s1  }
0x192: {  	s1 =	ssub.s32 @!p0 $0x0, s1;
	[sflag:s0] =	ssyncset.done @!p0 $0x0  }
0x193: {  	[sflag:s0] =	ssyncadd.s32 @!p0 s1  }
0x194: {  	[bflag:$0x3] =	sbarrier.arrive $0xFFFF  }
0x195: {  	_ =	shalt  }

// kernel: sparse-core-data-format-call.cloned.1.call-start
scs
called_computation_lowered:
.L_overlay_start_0:
0x0: {  	s2 =	sld [smem:$0x3FD9]  }
0x1: {  	s3 =	sld [smem:$0x3FFE];
	_ =	sdelay $0x1  }
0x2: {  	s1 =	srdreg.scid  }
0x3: {  	s0 =	sand.u32 $0x1, s1  }
0x4: {  	s18 =	sshll.u32 s0, $0xA;
	s2 =	sadd.s32 s3, s2  }
0x5: {  	s2 =	sadd.s32 s2, s18  }
0x6: {  	[smem:$0x3FC6] =	sst s2  }
0x7: {  	_ = 	snop  }
0x8: {  	s2 =	sld [smem:$0x3FD0];
	(tm) =	ssettm $0x1  }
0x9: {  	s19 =	sld [smem:$0x3FFB];
	_ =	sdelay $0x3  }
0xa: {  	_ =	strace s19  }
0xb: {  	s3 =	sld [smem:$0x3FFC];
	_ =	sdelay $0x3  }
0xc: {  	_ =	strace s3  }
0xd: {  	s3 =	sld [smem:$0x3FFD];
	_ =	sdelay $0x3  }
0xe: {  	_ =	strace s3  }
0xf: {  	_ =	strace $0x8FFFFFFF  }
0x10: {  	s20 =	sld [smem:$0x3FDB];
	_ =	sdelay $0x1  }
0x11: {  	s4 =	simm.s32 $_scs_section_size  }
0x12: {  	s5 =	simm.s32 $_size__tile_overlayer_lowered;
	s6 =	simm.s32 $_tile_overlayer_lowered  }
0x13: {  	s23 =	simm.s32 $0x1BFF;
	s22 =	sshll.u32 s6, $0x1;
	s3 =	sadd.s32 s4, s20  }
0x14: {  	s7 =	simm.s32 $0x0;
	s21 =	sshll.u32 s5, $0x1;
	s5 =	sadd.s32 s22, s3  }
0x15: {  	[timem:s7], [sflag:s23] =	dma.local [hbm:s5], s21  }
0x16: {  	_ =	swait.ge [sflag:s23], s21  }
0x17: {  	s4 =	ssub.s32 $0x0, s21;
	[sflag:s23] =	ssyncset.done $0x0  }
0x18: {  	[sflag:s23] =	ssyncadd.s32 s4;
	_ =	sdelay $0x1  }
0x19: {  	s24 =	simm.s32 $0x1B8B  }
0x1a: {  	_ =	swait.ge [sflag:s24], $0x1  }
0x1b: {  	[sflag:s24] =	ssyncset.done $0x0  }
0x1c: {  	s26 =	simm.s32 $0x1B8E;
	s25 =	sld [smem:$0x3FFE];
	[sflag:s24] =	ssyncadd.s32 $0xFFFFFFFF  }
0x1d: {  	s27 =	simm.s32 $execute0_lowered;
	[smem:$0x3FD2] =	sst s26  }
0x1e: {  	s5 =	sshll.u32 s27, $0x1;
	_ =	strace $0x80000049;
	[dreg:$0x1] =	wrdreg $0xFFFFFFFF  }
0x1f: {  	s28 =	simm.s32 $_size_execute0_lowered;
	s3 =	sadd.s32 s3, s5;
	[dreg:$0x0] =	wrdreg $0x0  }
0x20: {  	s5 =	sshll.u32 s28, $0x1;
	[dreg:$0x2] =	wrdreg s3  }
0x21: {  	[dreg:$0x3] =	wrdreg s5  }
0x22: {  	[dreg:$0x4] =	wrdreg $0xC0  }
0x23: {  	_ =	task [dreg:s7], $0x5FFFF  }
0x24: {  	[dreg:$0x1] =	wrdreg $0xFFFFFFFF  }
0x25: {  	[dreg:$0x0] =	wrdreg $0x60  }
0x26: {  	[dreg:$0x2] =	wrdreg s25  }
0x27: {  	[dreg:$0x3] =	wrdreg s2  }
0x28: {  	[dreg:$0x4] =	wrdreg $0x9  }
0x29: {  	_ =	task.clear_ibuf [dreg:s7], $0x5FFFF;
	_ =	strace $0x90000049  }
0x2a: {  	s29 =	simm.s32 $0x9;
	_ =	strace $0x8000004B  }
0x2b: {  	_ =	swait.ge [sflag:s29], $0x1  }
0x2c: {  	[sflag:s29] =	ssyncadd.s32 $0xFFFFFFFF  }
0x2d: {  	_ =	strace $0x9000004B  }
0x2e: {  	_ =	sfence  }
0x2f: {  	s30 =	sld [smem:$0x0];
	_ =	sdelay $0x2  }
0x30: {  	s31 =	sshll.u32 s1, $0xD;
	s1 =	sshrl.u32 s1, $0x2  }
0x31: {  	s3 =	sand.u32 $0x4000, s31;
	s1 =	sadd.s32 s1, s30  }
0x32: {  	s0 =	sor.u32 s3, s0;
	s1 =	sshll.u32 s1, $0x11  }
0x33: {  	s0 =	sor.u32 s1, s0  }
0x34: {  	s0 =	sadd.s32 $0x8F2B, s0  }
0x35: {  	[sflag:s0] =	ssyncadd.remote.s32 $0x1  }
0x36: {  	_ =	sfence.sel $0xFFFF  }
0x37: {  	[dreg:$0x0] =	wrdreg $0xFFFFFFFF;
	(pc) =	sbr.abs _section_cstart, $3  }
0x38: {  	[dreg:$0x1] =	wrdreg $0xFFFFFFFF  }
0x39: {  	_ =	task.clear_ibuf [dreg:s7], $0x2FFFF;
	_ =	strace $0x9FFFFFFF  }
0x3a: {  	(tm) =	ssettm $0x7FFFFFFF  }
0x3b: {  	_ =	shalt  }
tec
execute0_lowered:
.L_overlay_start_1:
0x0: {  	(tag) =	ssettag $0x1  }
0x1: {  	s0 =	srdreg.scid  }
0x2: {  	s1 =	sshll.u32 s0, $0x4  }
0x3: {  	s0 =	stileid.u32;
	s1 =	sand.u32 $0x10, s1  }
0x4: {  	s1 =	sor.u32 s0, s1  }
0x5: {  	s6 =	rddreg [dreg:$0x0];
	s4 =	simm.s32 $0x1;
	s2 =	sshll.u32 s1, $0x7  }
0x6: {  	s7 =	simm.s32 $0x2;
	s12 =	simm.s32 $0x0;
	s1 =	ssub.s32 $0x4000, s2  }
0x7: {  	s8 =	simm.s32 $0x20000;
	s13 =	simm.s32 $0x0;
	s3 =	sand.u32 $0xF80, s1  }
0x8: {  	s9 =	simm.s32 $0x0;
	s5 =	sshrl.u32 s1, $0xC;
	p0 =	sne.s32 s3, $0x0  }
.Ltmp0:
0x9: {  	s1 =	rddreg [dreg:$0x2];
	s4 =	simm.s32 @!p0 $0x0;
	(pc) =	sbr.rel .LBB1_1-.Ltmp0, $4  }
0xa: {  	s11 =	simm.s32 $0x0;
	s3 =	rddreg [dreg:$0x1];
	s5 =	sadd.s32 s4, s5  }
0xb: {  	_ =	strace $0x8000004A;
	s4 =	simm.s32 $0x1;
	s5 =	smul.u32 $0x1A, s5  }
0xc: {  	s6 =	sadd.s32 $0xA00, s6;
	s10 =	smov.u32 s2;
	[sflag:s4] =	ssyncpa.u1 $0x0  }
0xd: {  	p0 =	por $0x0, $0x0;
	[sflag:s7] =	ssyncpa.u1 $0x0;
	s7 =	sor.u32 $0x1, s5  }
.LBB1_4:
0xe: {  	s16 =	sshll.u32 s13, $0x3;
	s17 =	sand.u32 $0x78, s13  }
0xf: {  	s30 =	sand.u32 $0x1F800, s13;
	s12 =	sshll.u32 s12, $0x11;
	s16 =	sand.u32 $0x3C00, s16  }
0x10: {  	[tilespmem:s15+$0x810 ss:$0x81] =	vst.msk $0xffff, v2;
	s31 =	sand.u32 $0x7, s13;
	s16 =	sor.u32 s17, s16;
	s17 =	sadd.s32 s3, s30  }
0x11: {  	[tilespmem:s15+$0x1020 ss:$0x81] =	vst.msk $0xffff, v0;
	s13 =	sshll.u32 s31, $0x12;
	s12 =	sadd.s32 s12, s17;
	s16 =	sshrl.u32 s16, $0x3  }
0x12: {  	[tilespmem:s15+$0x0 ss:$0x81] =	vst.msk $0xffff, v1;
	s13 =	sor.u32 $0x400, s13;
	s12 =	sadd.s32 s16, s12  }
0x13: {  	[hbm4b:s12+s13] =	stream.strided.scatter [tilespmem:s14], [sflag:$0x2], $0x2000, s8, s13, $0x20;
	[tilespmem:$0x8080] =	vst v63  }
.LBB1_5:
0x14: {  	s14 =	sadd.s32 $0x1, s9  }
0x15: {  	s12 =	sadd.s32 $0x1000, s10;
	s16 =	smov.u32 s10;
	p2 =	sgt.s32 s14, $0x19  }
0x16: {  	s16 =	smov.u32 @p2 s12  }
0x17: {  	s14 =	simm.s32 @p2 $0x0;
	p2 =	sgt.s32 s16, $0x3FFF  }
0x18: {  	s16 =	smov.u32 @p2 s2;
	p2 =	sne.s32 s11, s7  }
.Ltmp1:
0x19: {  	p1 =	slt.u32 s11, $0x2;
	(pc) =	sbr.rel @!p2 .LBB1_6-.Ltmp1, $4  }
0x1a: {  	s15 =	simm.s32 @!p1 $0x2  }
0x1b: {  	s13 =	smov.u32 s10;
	p0 =	por !p0, !p0;
	_ =	swait.ge @!p1 [sflag:s15], $0x2000  }
0x1c: {  	s12 =	smov.u32 s9;
	[sflag:s15] =	ssyncset.done @!p1 $0x0;
	s9 =	smov.u32 s14  }
0x1d: {  	s11 =	sadd.s32 $0x1, s11;
	[sflag:s15] =	ssyncadd.s32 @!p1 $0xFFFFE000;
	s10 =	smov.u32 s16  }
.LBB1_1:
0x1e: {  	p1 =	sge.u32 s11, s5  }
0x1f: {  	s31 =	sadd.s32 $0xFFFFFFFF, s11;
	s14 =	sxor.u32 @!p1 $0xFFFFFFFF, s11  }
0x20: {  	s15 =	sshll.u32 @!p1 s10, $0x9;
	s16 =	sshll.u32 @!p1 s9, $0x4;
	s17 =	simm.s32 @!p1 $0x1000  }
0x21: {  	s14 =	sshll.u32 @!p1 s14, $0xD;
	s16 =	sand.u32 @!p1 $0x1F0, s16;
	s15 =	sadd.s32 @!p1 s6, s15  }
0x22: {  	s14 =	sand.u32 @!p1 $0x2000, s14;
	s15 =	sadd.s32 @!p1 s16, s15;
	s16 =	simm.s32 @!p1 $0x40  }
0x23: {  	[tilespmem:s14], [sflag:$0x1] =	stream.strided.gather @!p1 [hbm4b:s15+s16], $0x2000, s17, s16, $0x38;
	[tilespmem:$0x8080] =	vst v63  }
0x24: {  	p1 =	sge.u32 s31, s5  }
.Ltmp2:
0x25: {  	_ = 	snop;
	(pc) =	sbr.rel @p1 .LBB1_5-.Ltmp2, $1  }
0x26: {  	_ =	sdelay $0x3  }
0x27: {  	s14 =	simm.s32 $0x1  }
0x28: {  	_ =	swait.ge [sflag:s4], $0x2000;
	s14 =	simm.s32 @!p0 $0x0  }
0x29: {  	[sflag:s4] =	ssyncset.done $0x0;
	s15 =	sshll.u32 s14, $0xD  }
0x2a: {  	[sflag:s4] =	ssyncadd.s32 $0xFFFFE000;
	s18 =	sor.u32 $0x20, s15  }
0x2b: {  	s14 =	smul.u32 $0x8100, s14;
	v3 =	vld [tilespmem:s18+$0x10]  }
0x2c: {  	s30 =	sand.u32 $0x1, s11;
	v2 =	vld [tilespmem:s18+$0xFFFFFFF0]  }
0x2d: {  	s15 =	smul.u32 $0x8100, s30;
	s14 =	sshrl.u32 s14, $0x2;
	v0 =	vld [tilespmem:s18+$0x0]  }
0x2e: {  	v1 =	vld [tilespmem:s18+$0xFFFFFFE0];
	s16 =	sor.u32 $0x4000, s14  }
0x2f: {  	s31 =	sshrl.u32 s15, $0x2;
	s15 =	sadd.s32 $0x0, s16  }
0x30: {  	s17 =	simm.s32 $0x4;
	s18 =	sadd.s32 $0x40, s18;
	s14 =	sor.u32 $0x4000, s31;
	[tilespmem:s15+$0x1830 ss:$0x81] =	vst.msk $0xffff, v3  }
.LBB1_3:
0x31: {  	v3 =	vld [tilespmem:s18+$0x10];
	p1 =	sne.s32 s17, $0x1FC;
	[tilespmem:s15+$0x810 ss:$0x81] =	vst.msk $0xffff, v2;
	s19 =	smov.u32 s17;
	s17 =	sadd.s32 $0x4, s17  }
.Ltmp3:
0x32: {  	v2 =	vld [tilespmem:s18+$0xFFFFFFF0];
	[tilespmem:s15+$0x1020 ss:$0x81] =	vst.msk $0xffff, v0;
	(pc) =	sbr.rel @p1 .LBB1_3-.Ltmp3, $4  }
0x33: {  	v0 =	vld [tilespmem:s18+$0x0];
	[tilespmem:s15+$0x0 ss:$0x81] =	vst.msk $0xffff, v1  }
0x34: {  	s15 =	sshra.s32 s19, $0x2;
	v1 =	vld [tilespmem:s18+$0xFFFFFFE0]  }
0x35: {  	s15 =	sadd.s32 s15, s16  }
0x36: {  	s18 =	sadd.s32 $0x40, s18;
	[tilespmem:s15+$0x1830 ss:$0x81] =	vst.msk $0xffff, v3  }
.Ltmp4:
0x37: {  	_ = 	snop;
	(pc) =	sbr.rel .LBB1_4-.Ltmp4, $1  }
0x38: {  	_ =	sdelay $0x3  }
.LBB1_6:
0x39: {  	_ =	sfence.sel $0x180000  }
0x3a: {  	s2 =	simm.s32 $0x1;
	[bflag:$0x0] =	sbarrier.arrive $0xFFFF  }
0x3b: {  	s31 =	simm.s32 $0x2;
	[sflag:s2] =	ssyncpa.u1 $0x1  }
0x3c: {  	[sflag:s31] =	ssyncpa.u1 $0x1  }
0x3d: {  	p0 =	sne.s32 s0, $0x0;
	_ =	strace $0x9000004A  }
0x3e: {  	s0 =	sadd.s32 @!p0 $0x100000, s1;
	[bflag:$0x2] =	sbarrier.arrive $0xFFFF  }
0x3f: {  	[sflag:s0] =	ssyncadd.tile.s32 @!p0 $0x1;
	_ =	shalt  }
.Lfunc_end1:
_tile_overlayer_lowered:
.L_overlay_start_2:
0x40: {  	(tag) =	ssettag $0x2  }
0x41: {  	s0 =	rddreg [dreg:$0x0];
	s2 =	stileid.u32  }
0x42: {  	s1 =	rddreg [dreg:$0x1];
	p0 =	sne.s32 s2, $0x0  }
0x43: {  	s3 =	rddreg [dreg:$0x2];
	[bflag:$0x3] =	sbarrier.arrive $0xFFFF;
	s2 =	simm.s32 @!p0 $0x1C01  }
0x44: {  	[timem:s3], [sflag:s2] =	dma.local @!p0 [hbm:s0], s1  }
0x45: {  	s0 =	simm.s32 @!p0 $0x1  }
0x46: {  	_ =	swait.ge @!p0 [sflag:s0], s1  }
0x47: {  	s1 =	ssub.s32 @!p0 $0x0, s1;
	[sflag:s0] =	ssyncset.done @!p0 $0x0  }
0x48: {  	[sflag:s0] =	ssyncadd.s32 @!p0 s1  }
0x49: {  	[bflag:$0x3] =	sbarrier.arrive $0xFFFF  }
0x4a: {  	_ =	shalt  }

</sc_bundles>
